<compile_context>
chip_gen: v7x
topology: tpu7x:2x2x1
jax: 0.10.2.dev20260603
libtpu: 0.0.44.dev20260713+nightly
codegen_flags: <defaults>
</compile_context>

<pallas_src>
import functools

import jax
import jax.numpy as jnp
from jax import lax
from jax.experimental import pallas as pl
from jax.experimental.pallas import tpu as pltpu
from jax.experimental.pallas import tpu_sc as plsc

_ENTITY = 100000
_REL = 1000
_EMB = 128
_IMG = 512
_B = 16384
_MULT = 20.0
_PSI = 1.0
_EPS = 1e-5

_NHALF = 1
_H = _B // _NHALF
_NW = 32
_ROWS_W = _H // _NW
_CH = 32
_NCH = _ROWS_W // _CH


def _sc_gather_body(s_hbm, o_hbm, r_hbm, e_hbm, r_t_hbm, rht_t_hbm, rtt_t_hbm,
                    img_hbm,
                    img_s_out, img_o_out, rht_out, rtt_out, base_out,
                    idx_s, idx_o, idx_r, base_buf,
                    bufs_a, bufs_b,
                    gs_a, gs_b, ws_a, ws_b):
    sid = lax.axis_index("s")
    wid = sid * 2 + lax.axis_index("c")
    tbase = wid * _ROWS_W

    pltpu.sync_copy(s_hbm.at[pl.ds(tbase, _ROWS_W)], idx_s)
    pltpu.sync_copy(o_hbm.at[pl.ds(tbase, _ROWS_W)], idx_o)
    pltpu.sync_copy(r_hbm.at[pl.ds(tbase, _ROWS_W)], idx_r)

    def fire_g(bufs, sem, c):
        off = c * _CH
        bs, bo, bes, beo, brr, brht, brtt = bufs
        isl = idx_s.at[pl.ds(off, _CH)]
        iol = idx_o.at[pl.ds(off, _CH)]
        irl = idx_r.at[pl.ds(off, _CH)]
        pltpu.async_copy(img_hbm.at[isl], bs, sem)
        pltpu.async_copy(img_hbm.at[iol], bo, sem)
        pltpu.async_copy(e_hbm.at[isl], bes, sem)
        pltpu.async_copy(e_hbm.at[iol], beo, sem)
        pltpu.async_copy(r_t_hbm.at[irl], brr, sem)
        pltpu.async_copy(rht_t_hbm.at[irl], brht, sem)
        pltpu.async_copy(rtt_t_hbm.at[irl], brtt, sem)

    def wait_g(bufs, sem):
        bs, bo, bes, beo, brr, brht, brtt = bufs
        dummy = pl.ds(0, _CH)
        pltpu.make_async_copy(img_hbm.at[dummy], bs, sem).wait()
        pltpu.make_async_copy(img_hbm.at[dummy], bo, sem).wait()
        pltpu.make_async_copy(e_hbm.at[dummy], bes, sem).wait()
        pltpu.make_async_copy(e_hbm.at[dummy], beo, sem).wait()
        pltpu.make_async_copy(r_t_hbm.at[dummy], brr, sem).wait()
        pltpu.make_async_copy(rht_t_hbm.at[dummy], brht, sem).wait()
        pltpu.make_async_copy(rtt_t_hbm.at[dummy], brtt, sem).wait()

    def fire_wb(bufs, sem, c):
        dst = tbase + c * _CH
        bs, bo, bes, beo, brr, brht, brtt = bufs
        pltpu.async_copy(bs, img_s_out.at[pl.ds(dst, _CH)], sem)
        pltpu.async_copy(bo, img_o_out.at[pl.ds(dst, _CH)], sem)
        pltpu.async_copy(brht, rht_out.at[pl.ds(dst, _CH)], sem)
        pltpu.async_copy(brtt, rtt_out.at[pl.ds(dst, _CH)], sem)

    def wait_wb(bufs, sem):
        bs, bo, bes, beo, brr, brht, brtt = bufs
        dummy = pl.ds(0, _CH)
        pltpu.make_async_copy(bs, img_s_out.at[dummy], sem).wait()
        pltpu.make_async_copy(bo, img_o_out.at[dummy], sem).wait()
        pltpu.make_async_copy(brht, rht_out.at[dummy], sem).wait()
        pltpu.make_async_copy(brtt, rtt_out.at[dummy], sem).wait()

    def compute_base(bufs, c):
        bs, bo, bes, beo, brr, brht, brtt = bufs

        def row_fn(j, carry):
            acc = jnp.zeros((16,), jnp.float32)
            for k in range(_EMB // 16):
                sl = pl.ds(k * 16, 16)
                acc = acc + bes[j, sl] * brr[j, sl] * beo[j, sl]
            row = c * _CH + j
            base_buf[row // 8, pl.ds((row % 8) * 16, 16)] = acc
            return carry

        lax.fori_loop(0, _CH, row_fn, 0)

    fire_g(bufs_a, gs_a, 0)

    def body(i, carry):
        c0 = 2 * i
        c1 = 2 * i + 1
        wait_g(bufs_a, gs_a)
        fire_wb(bufs_a, ws_a, c0)
        fire_g(bufs_b, gs_b, c1)
        compute_base(bufs_a, c0)
        wait_g(bufs_b, gs_b)
        fire_wb(bufs_b, ws_b, c1)
        wait_wb(bufs_a, ws_a)
        fire_g(bufs_a, gs_a, jnp.minimum(c0 + 2, _NCH - 1))
        compute_base(bufs_b, c1)
        wait_wb(bufs_b, ws_b)
        return carry

    lax.fori_loop(0, _NCH // 2, body, 0)
    wait_g(bufs_a, gs_a)
    pltpu.sync_copy(
        base_buf,
        base_out.at[pl.ds(pl.multiple_of(tbase // 8, 8), _ROWS_W // 8)])


def _buf_set():
    return (
        pltpu.VMEM((_CH, _IMG), jnp.float32),
        pltpu.VMEM((_CH, _IMG), jnp.float32),
        pltpu.VMEM((_CH, _EMB), jnp.float32),
        pltpu.VMEM((_CH, _EMB), jnp.float32),
        pltpu.VMEM((_CH, _EMB), jnp.float32),
        pltpu.VMEM((_CH, _EMB), jnp.float32),
        pltpu.VMEM((_CH, _EMB), jnp.float32),
    )


def _build_sc_gather():
  return functools.partial(
    pl.kernel,
    mesh=plsc.VectorSubcoreMesh(core_axis_name="c", subcore_axis_name="s"),
    out_type=(
        jax.ShapeDtypeStruct((_H, _IMG), jnp.float32),
        jax.ShapeDtypeStruct((_H, _IMG), jnp.float32),
        jax.ShapeDtypeStruct((_H, _EMB), jnp.float32),
        jax.ShapeDtypeStruct((_H, _EMB), jnp.float32),
        jax.ShapeDtypeStruct((_H // 8, _EMB), jnp.float32),
    ),
    scratch_types=[
        pltpu.VMEM((_ROWS_W,), jnp.int32),
        pltpu.VMEM((_ROWS_W,), jnp.int32),
        pltpu.VMEM((_ROWS_W,), jnp.int32),
        pltpu.VMEM((_ROWS_W // 8, _EMB), jnp.float32),
        _buf_set(),
        _buf_set(),
        pltpu.SemaphoreType.DMA,
        pltpu.SemaphoreType.DMA,
        pltpu.SemaphoreType.DMA,
        pltpu.SemaphoreType.DMA,
    ],
  )(_sc_gather_body)


_BLK = 2048


def _mm_body(img_s_ref, img_o_ref, wt_ref, b_ref, ps_ref, po_ref, st_ref,
             acc_ref):
    i = pl.program_id(0)
    wt = wt_ref[...].astype(jnp.bfloat16)
    ps = jnp.dot(img_s_ref[...].astype(jnp.bfloat16), wt,
                 preferred_element_type=jnp.float32) + b_ref[...]
    po = jnp.dot(img_o_ref[...].astype(jnp.bfloat16), wt,
                 preferred_element_type=jnp.float32) + b_ref[...]
    ps_ref[...] = ps
    po_ref[...] = po
    part = jnp.concatenate([
        jnp.sum(ps, axis=0, keepdims=True),
        jnp.sum(ps * ps, axis=0, keepdims=True),
        jnp.sum(po, axis=0, keepdims=True),
        jnp.sum(po * po, axis=0, keepdims=True),
    ], axis=0)

    @pl.when(i == 0)
    def _():
        acc_ref[...] = part

    @pl.when(i > 0)
    def _():
        acc_ref[...] += part

    @pl.when(i == pl.num_programs(0) - 1)
    def _():
        st_ref[...] = acc_ref[...]


def _tc_project(img_s, img_o, wt, b2):
    return pl.pallas_call(
        _mm_body,
        grid=(_H // _BLK,),
        in_specs=[
            pl.BlockSpec((_BLK, _IMG), lambda i: (i, 0)),
            pl.BlockSpec((_BLK, _IMG), lambda i: (i, 0)),
            pl.BlockSpec((_IMG, _EMB), lambda i: (0, 0)),
            pl.BlockSpec((1, _EMB), lambda i: (0, 0)),
        ],
        out_specs=[
            pl.BlockSpec((_BLK, _EMB), lambda i: (i, 0)),
            pl.BlockSpec((_BLK, _EMB), lambda i: (i, 0)),
            pl.BlockSpec((4, _EMB), lambda i: (0, 0)),
        ],
        out_shape=[
            jax.ShapeDtypeStruct((_H, _EMB), jnp.float32),
            jax.ShapeDtypeStruct((_H, _EMB), jnp.float32),
            jax.ShapeDtypeStruct((4, _EMB), jnp.float32),
        ],
        scratch_shapes=[pltpu.VMEM((4, _EMB), jnp.float32)],
    )(img_s, img_o, wt, b2)


def _final_body(ps_ref, po_ref, rht_ref, rtt_ref, base_ref, st0_ref, st1_ref,
                gamma_ref, beta_ref, out_ref):
    n = jnp.float32(_B)
    gamma = gamma_ref[...]
    beta = beta_ref[...]
    st = st0_ref[...] + st1_ref[...]

    mu_s = st[0:1, :] / n
    var_s = st[1:2, :] / n - mu_s * mu_s
    inv_s = lax.rsqrt(var_s + _EPS)
    mu_o = st[2:3, :] / n
    var_o = st[3:4, :] / n - mu_o * mu_o
    inv_o = lax.rsqrt(var_o + _EPS)

    s_img = gamma * (ps_ref[...] - mu_s) * inv_s + beta
    o_img = gamma * (po_ref[...] - mu_o) * inv_o + beta

    head = jax.nn.sigmoid(
        _PSI * jnp.sum(s_img * rht_ref[...], axis=-1, keepdims=True))
    tail = jax.nn.sigmoid(
        _PSI * jnp.sum(o_img * rtt_ref[...], axis=-1, keepdims=True))
    expand = (lax.broadcasted_iota(jnp.int32, (_BLK, _BLK // 8), 0) // 8
              == lax.broadcasted_iota(jnp.int32, (_BLK, _BLK // 8), 1)
              ).astype(jnp.float32)
    tmp = jnp.dot(expand, base_ref[...], preferred_element_type=jnp.float32)
    group = (lax.broadcasted_iota(jnp.int32, (_BLK, _EMB), 1) // 16
             == lax.broadcasted_iota(jnp.int32, (_BLK, _EMB), 0) % 8
             ).astype(jnp.float32)
    bsum = jnp.sum(tmp * group, axis=-1, keepdims=True)
    base = jax.nn.sigmoid(_PSI * bsum)
    out_ref[...] = _MULT * base * head * tail


def _tc_final(ps, po, rht, rtt, base2, st0, st1, gamma2, beta2):
    emb_spec = pl.BlockSpec((_BLK, _EMB), lambda i: (i, 0))
    return pl.pallas_call(
        _final_body,
        grid=(_H // _BLK,),
        in_specs=[
            emb_spec, emb_spec, emb_spec, emb_spec,
            pl.BlockSpec((_BLK // 8, _EMB), lambda i: (i, 0)),
            pl.BlockSpec((4, _EMB), lambda i: (0, 0)),
            pl.BlockSpec((4, _EMB), lambda i: (0, 0)),
            pl.BlockSpec((1, _EMB), lambda i: (0, 0)),
            pl.BlockSpec((1, _EMB), lambda i: (0, 0)),
        ],
        out_specs=pl.BlockSpec((_BLK, 1), lambda i: (i, 0)),
        out_shape=jax.ShapeDtypeStruct((_H, 1), jnp.float32),
    )(ps, po, rht, rtt, base2, st0, st1, gamma2, beta2)


def kernel(s, r, o, E, R, R_ht, R_tt, image_w, W, b, gamma, beta):
    s_flat = s.reshape(-1)
    r_flat = r.reshape(-1)
    o_flat = o.reshape(-1)
    wt = W.T
    b2 = b.reshape(1, _EMB)
    gamma2 = gamma.reshape(1, _EMB)
    beta2 = beta.reshape(1, _EMB)

    sc = _build_sc_gather()
    halves = []
    for h in range(_NHALF):
        sl = slice(h * _H, (h + 1) * _H)
        img_s, img_o, rht, rtt, basep = sc(
            s_flat[sl], o_flat[sl], r_flat[sl], E, R, R_ht, R_tt, image_w)
        ps, po, st = _tc_project(img_s, img_o, wt, b2)
        halves.append((ps, po, rht, rtt, basep, st))

    st0 = halves[0][5]
    st1 = (halves[1][5] if _NHALF > 1
           else jnp.zeros((4, _EMB), jnp.float32))
    outs = [
        _tc_final(ps, po, rht, rtt, basep, st0, st1, gamma2, beta2)
        for (ps, po, rht, rtt, basep, _) in halves
    ]
    return jnp.concatenate(outs, axis=0)

# --- scband reference (transcript-rebuilt; emitter-appended) ---
"""Pipeline reference for scband-only-image-model-72138270704037 (READ-ONLY COPY).

The authoritative reference and input builder live on the scoring server;
editing this copy changes nothing except your own understanding.
"""

import jax, jax.numpy as jnp
import numpy as np

ENTITY = 100000
REL = 1000
EMB = 128
IMG = 512
B = 16384
MULT = 20.0
PSI = 1.0
EPS = 1e-5


def setup_inputs(seed: int = 0) -> dict:
    key = jax.random.key(seed)
    ks = jax.random.split(key, 11)
    s = jax.random.randint(ks[0], (B, 1), 0, ENTITY, dtype=jnp.int32)
    r = jax.random.randint(ks[1], (B, 1), 0, REL, dtype=jnp.int32)
    o = jax.random.randint(ks[2], (B, 1), 0, ENTITY, dtype=jnp.int32)
    # base model (DistMult) parameters
    E = jax.random.normal(ks[3], (ENTITY, EMB), dtype=jnp.float32) * 0.05
    R = jax.random.normal(ks[4], (REL, EMB), dtype=jnp.float32) * 0.05
    # head/tail type-compatibility relation embeddings (init normal(0, 0.05))
    R_ht = jax.random.normal(ks[5], (REL, EMB), dtype=jnp.float32) * 0.05
    R_tt = jax.random.normal(ks[6], (REL, EMB), dtype=jnp.float32) * 0.05
    # frozen image embedding table (entity_count rows incl. OOV row)
    image_w = jax.random.uniform(ks[7], (ENTITY, IMG), dtype=jnp.float32)
    # linear projection img_dim -> embedding_dim (init normal(0, 0.05))
    W = jax.random.normal(ks[8], (EMB, IMG), dtype=jnp.float32) * 0.05
    b = jnp.zeros((EMB,), dtype=jnp.float32)
    # batchnorm affine params
    gamma = jnp.ones((EMB,), dtype=jnp.float32)
    beta = jnp.zeros((EMB,), dtype=jnp.float32)
    return {"s": s, "r": r, "o": o, "E": E, "R": R, "R_ht": R_ht,
            "R_tt": R_tt, "image_w": image_w, "W": W, "b": b,
            "gamma": gamma, "beta": beta}


def _batchnorm(x, gamma, beta):
    # training-mode batchnorm: per-call batch statistics, biased variance
    mu = x.mean(axis=0)
    var = x.var(axis=0)
    return gamma * (x - mu) / jnp.sqrt(var + EPS) + beta


def reference(s, r, o, E, R, R_ht, R_tt, image_w, W, b, gamma, beta):
    # base model (DistMult): (E[s] * R[r] * E[o]).sum(-1) -> [B, 1]
    base = (E[s] * R[r] * E[o]).sum(-1)
    base = jax.nn.sigmoid(PSI * base)

    r_ht = R_ht[r]  # [B, 1, EMB]
    r_tt = R_tt[r]  # [B, 1, EMB]

    # subject image pathway: gather -> linear -> batchnorm -> unsqueeze
    s_img = image_w[s]  # [B, 1, IMG]
    tmp = (s_img @ W.T + b).reshape(-1, EMB)  # [B, EMB]
    s_image = _batchnorm(tmp, gamma, beta)[:, None, :]  # [B, 1, EMB]

    # object image pathway
    o_img = image_w[o]  # [B, 1, IMG]
    tmp = (o_img @ W.T + b).reshape(-1, EMB)
    o_image = _batchnorm(tmp, gamma, beta)[:, None, :]  # [B, 1, EMB]

    head_tc = jax.nn.sigmoid(PSI * (s_image * r_ht).sum(-1))  # [B, 1]
    tail_tc = jax.nn.sigmoid(PSI * (o_image * r_tt).sum(-1))  # [B, 1]

    return MULT * base * head_tc * tail_tc  # [B, 1]

if __name__ == "__main__":
    import jax
    _d = setup_inputs()
    print(jax.jit(kernel)(*tuple(_d.values())))

</pallas_src>

<mosaic_0001>
#map = affine_map<(d0, d1) -> (0)>
#map1 = affine_map<(d0, d1) -> (0, 0)>
module attributes {stable_mosaic.version = 14 : i64} {
  func.func @_sc_gather_body(%arg0: i32, %arg1: i32, %arg2: memref<16384xi32, #tpu.memory_space<hbm>>, %arg3: memref<16384xi32, #tpu.memory_space<hbm>>, %arg4: memref<16384xi32, #tpu.memory_space<hbm>>, %arg5: memref<100000x128xf32, #tpu.memory_space<hbm>>, %arg6: memref<1000x128xf32, #tpu.memory_space<hbm>>, %arg7: memref<1000x128xf32, #tpu.memory_space<hbm>>, %arg8: memref<1000x128xf32, #tpu.memory_space<hbm>>, %arg9: memref<100000x512xf32, #tpu.memory_space<hbm>>, %arg10: memref<16384x512xf32, #tpu.memory_space<hbm>>, %arg11: memref<16384x512xf32, #tpu.memory_space<hbm>>, %arg12: memref<16384x128xf32, #tpu.memory_space<hbm>>, %arg13: memref<16384x128xf32, #tpu.memory_space<hbm>>, %arg14: memref<2048x128xf32, #tpu.memory_space<hbm>>, %arg15: memref<512xi32, #tpu.memory_space<vmem>>, %arg16: memref<512xi32, #tpu.memory_space<vmem>>, %arg17: memref<512xi32, #tpu.memory_space<vmem>>, %arg18: memref<64x128xf32, #tpu.memory_space<vmem>>, %arg19: memref<32x512xf32, #tpu.memory_space<vmem>>, %arg20: memref<32x512xf32, #tpu.memory_space<vmem>>, %arg21: memref<32x128xf32, #tpu.memory_space<vmem>>, %arg22: memref<32x128xf32, #tpu.memory_space<vmem>>, %arg23: memref<32x128xf32, #tpu.memory_space<vmem>>, %arg24: memref<32x128xf32, #tpu.memory_space<vmem>>, %arg25: memref<32x128xf32, #tpu.memory_space<vmem>>, %arg26: memref<32x512xf32, #tpu.memory_space<vmem>>, %arg27: memref<32x512xf32, #tpu.memory_space<vmem>>, %arg28: memref<32x128xf32, #tpu.memory_space<vmem>>, %arg29: memref<32x128xf32, #tpu.memory_space<vmem>>, %arg30: memref<32x128xf32, #tpu.memory_space<vmem>>, %arg31: memref<32x128xf32, #tpu.memory_space<vmem>>, %arg32: memref<32x128xf32, #tpu.memory_space<vmem>>, %arg33: memref<!tpu.dma_semaphore, #tpu.memory_space<semaphore_mem>>, %arg34: memref<!tpu.dma_semaphore, #tpu.memory_space<semaphore_mem>>, %arg35: memref<!tpu.dma_semaphore, #tpu.memory_space<semaphore_mem>>, %arg36: memref<!tpu.dma_semaphore, #tpu.memory_space<semaphore_mem>>) attributes {dimension_semantics = [#tpu.dimension_semantics<core_parallel>, #tpu.dimension_semantics<subcore_parallel>], iteration_bounds = array<i64: 2, 16>, scalar_prefetch = 0 : i64, scratch_operands = 22 : i64, tpu.core_type = #tpu.core_type<sc_vector_subcore>, window_params = [{transform_indices = #map}, {transform_indices = #map}, {transform_indices = #map}, {transform_indices = #map1}, {transform_indices = #map1}, {transform_indices = #map1}, {transform_indices = #map1}, {transform_indices = #map1}, {transform_indices = #map1}, {transform_indices = #map1}, {transform_indices = #map1}, {transform_indices = #map1}, {transform_indices = #map1}]} {
    %mul3A = arith.constant 2 : i32
    %mul3A_0 = arith.muli %arg1, %mul3A : i32
    %add3A = arith.addi %mul3A_0, %arg0 : i32
    %mul3A_1 = arith.constant 512 : i32
    %mul3A_2 = arith.muli %add3A, %mul3A_1 : i32
    "tpu.region"() ({
      %run_scoped3A = tpu.sem_alloc : memref<!tpu.dma_semaphore, #tpu.memory_space<semaphore_mem>>
      %dma_start3A_99 = tpu.memref_slice %arg2[%mul3A_2] : memref<16384xi32, #tpu.memory_space<hbm>> -> memref<512xi32, #tpu.memory_space<hbm>>
      %dma_start3A_100 = tpu.memref_slice %arg2[%mul3A_2] : memref<16384xi32, #tpu.memory_space<hbm>> -> memref<512xi32, #tpu.memory_space<hbm>>
      tpu.enqueue_dma source(%dma_start3A_100 : memref<512xi32, #tpu.memory_space<hbm>>) target(%arg15 : memref<512xi32, #tpu.memory_space<vmem>>) target_semaphore(%run_scoped3A : memref<!tpu.dma_semaphore, #tpu.memory_space<semaphore_mem>>)
      %dma_wait3A_101 = tpu.memref_slice %arg2[%mul3A_2] : memref<16384xi32, #tpu.memory_space<hbm>> -> memref<512xi32, #tpu.memory_space<hbm>>
      %dma_wait3A_102 = tpu.memref_slice %arg2[%mul3A_2] : memref<16384xi32, #tpu.memory_space<hbm>> -> memref<512xi32, #tpu.memory_space<hbm>>
      tpu.wait_dma2 semaphore(%run_scoped3A : memref<!tpu.dma_semaphore, #tpu.memory_space<semaphore_mem>>) src(%dma_wait3A_102 : memref<512xi32, #tpu.memory_space<hbm>>) dst(%arg15 : memref<512xi32, #tpu.memory_space<vmem>>)
      tpu.yield
    }) : () -> ()
    "tpu.region"() ({
      %run_scoped3A = tpu.sem_alloc : memref<!tpu.dma_semaphore, #tpu.memory_space<semaphore_mem>>
      %dma_start3A_99 = tpu.memref_slice %arg3[%mul3A_2] : memref<16384xi32, #tpu.memory_space<hbm>> -> memref<512xi32, #tpu.memory_space<hbm>>
      %dma_start3A_100 = tpu.memref_slice %arg3[%mul3A_2] : memref<16384xi32, #tpu.memory_space<hbm>> -> memref<512xi32, #tpu.memory_space<hbm>>
      tpu.enqueue_dma source(%dma_start3A_100 : memref<512xi32, #tpu.memory_space<hbm>>) target(%arg16 : memref<512xi32, #tpu.memory_space<vmem>>) target_semaphore(%run_scoped3A : memref<!tpu.dma_semaphore, #tpu.memory_space<semaphore_mem>>)
      %dma_wait3A_101 = tpu.memref_slice %arg3[%mul3A_2] : memref<16384xi32, #tpu.memory_space<hbm>> -> memref<512xi32, #tpu.memory_space<hbm>>
      %dma_wait3A_102 = tpu.memref_slice %arg3[%mul3A_2] : memref<16384xi32, #tpu.memory_space<hbm>> -> memref<512xi32, #tpu.memory_space<hbm>>
      tpu.wait_dma2 semaphore(%run_scoped3A : memref<!tpu.dma_semaphore, #tpu.memory_space<semaphore_mem>>) src(%dma_wait3A_102 : memref<512xi32, #tpu.memory_space<hbm>>) dst(%arg16 : memref<512xi32, #tpu.memory_space<vmem>>)
      tpu.yield
    }) : () -> ()
    "tpu.region"() ({
      %run_scoped3A = tpu.sem_alloc : memref<!tpu.dma_semaphore, #tpu.memory_space<semaphore_mem>>
      %dma_start3A_99 = tpu.memref_slice %arg4[%mul3A_2] : memref<16384xi32, #tpu.memory_space<hbm>> -> memref<512xi32, #tpu.memory_space<hbm>>
      %dma_start3A_100 = tpu.memref_slice %arg4[%mul3A_2] : memref<16384xi32, #tpu.memory_space<hbm>> -> memref<512xi32, #tpu.memory_space<hbm>>
      tpu.enqueue_dma source(%dma_start3A_100 : memref<512xi32, #tpu.memory_space<hbm>>) target(%arg17 : memref<512xi32, #tpu.memory_space<vmem>>) target_semaphore(%run_scoped3A : memref<!tpu.dma_semaphore, #tpu.memory_space<semaphore_mem>>)
      %dma_wait3A_101 = tpu.memref_slice %arg4[%mul3A_2] : memref<16384xi32, #tpu.memory_space<hbm>> -> memref<512xi32, #tpu.memory_space<hbm>>
      %dma_wait3A_102 = tpu.memref_slice %arg4[%mul3A_2] : memref<16384xi32, #tpu.memory_space<hbm>> -> memref<512xi32, #tpu.memory_space<hbm>>
      tpu.wait_dma2 semaphore(%run_scoped3A : memref<!tpu.dma_semaphore, #tpu.memory_space<semaphore_mem>>) src(%dma_wait3A_102 : memref<512xi32, #tpu.memory_space<hbm>>) dst(%arg17 : memref<512xi32, #tpu.memory_space<vmem>>)
      tpu.yield
    }) : () -> ()
    %dma_start3A = arith.constant 0 : i32
    %dma_start3A_3 = tpu.memref_slice %arg15[%dma_start3A] : memref<512xi32, #tpu.memory_space<vmem>> -> memref<32xi32, #tpu.memory_space<vmem>>
    %dma_start3A_4 = arith.constant 0 : i32
    %dma_start3A_5 = arith.constant 0 : i32
    %dma_start3A_6 = tpu.memref_slice %arg9[%dma_start3A_4, %dma_start3A_5] : memref<100000x512xf32, #tpu.memory_space<hbm>> -> memref<100000x512xf32, #tpu.memory_space<hbm>>
    tpu.enqueue_indirect_dma source(%dma_start3A_6 : memref<100000x512xf32, #tpu.memory_space<hbm>>) target(%arg19 : memref<32x512xf32, #tpu.memory_space<vmem>>) offsets(%dma_start3A_3 : memref<32xi32, #tpu.memory_space<vmem>>) semaphore(%arg33 : memref<!tpu.dma_semaphore, #tpu.memory_space<semaphore_mem>>)
    %dma_start3A_7 = arith.constant 0 : i32
    %dma_start3A_8 = tpu.memref_slice %arg16[%dma_start3A_7] : memref<512xi32, #tpu.memory_space<vmem>> -> memref<32xi32, #tpu.memory_space<vmem>>
    %dma_start3A_9 = arith.constant 0 : i32
    %dma_start3A_10 = arith.constant 0 : i32
    %dma_start3A_11 = tpu.memref_slice %arg9[%dma_start3A_9, %dma_start3A_10] : memref<100000x512xf32, #tpu.memory_space<hbm>> -> memref<100000x512xf32, #tpu.memory_space<hbm>>
    tpu.enqueue_indirect_dma source(%dma_start3A_11 : memref<100000x512xf32, #tpu.memory_space<hbm>>) target(%arg20 : memref<32x512xf32, #tpu.memory_space<vmem>>) offsets(%dma_start3A_8 : memref<32xi32, #tpu.memory_space<vmem>>) semaphore(%arg33 : memref<!tpu.dma_semaphore, #tpu.memory_space<semaphore_mem>>)
    %dma_start3A_12 = arith.constant 0 : i32
    %dma_start3A_13 = tpu.memref_slice %arg15[%dma_start3A_12] : memref<512xi32, #tpu.memory_space<vmem>> -> memref<32xi32, #tpu.memory_space<vmem>>
    %dma_start3A_14 = arith.constant 0 : i32
    %dma_start3A_15 = arith.constant 0 : i32
    %dma_start3A_16 = tpu.memref_slice %arg5[%dma_start3A_14, %dma_start3A_15] : memref<100000x128xf32, #tpu.memory_space<hbm>> -> memref<100000x128xf32, #tpu.memory_space<hbm>>
    tpu.enqueue_indirect_dma source(%dma_start3A_16 : memref<100000x128xf32, #tpu.memory_space<hbm>>) target(%arg21 : memref<32x128xf32, #tpu.memory_space<vmem>>) offsets(%dma_start3A_13 : memref<32xi32, #tpu.memory_space<vmem>>) semaphore(%arg33 : memref<!tpu.dma_semaphore, #tpu.memory_space<semaphore_mem>>)
    %dma_start3A_17 = arith.constant 0 : i32
    %dma_start3A_18 = tpu.memref_slice %arg16[%dma_start3A_17] : memref<512xi32, #tpu.memory_space<vmem>> -> memref<32xi32, #tpu.memory_space<vmem>>
    %dma_start3A_19 = arith.constant 0 : i32
    %dma_start3A_20 = arith.constant 0 : i32
    %dma_start3A_21 = tpu.memref_slice %arg5[%dma_start3A_19, %dma_start3A_20] : memref<100000x128xf32, #tpu.memory_space<hbm>> -> memref<100000x128xf32, #tpu.memory_space<hbm>>
    tpu.enqueue_indirect_dma source(%dma_start3A_21 : memref<100000x128xf32, #tpu.memory_space<hbm>>) target(%arg22 : memref<32x128xf32, #tpu.memory_space<vmem>>) offsets(%dma_start3A_18 : memref<32xi32, #tpu.memory_space<vmem>>) semaphore(%arg33 : memref<!tpu.dma_semaphore, #tpu.memory_space<semaphore_mem>>)
    %dma_start3A_22 = arith.constant 0 : i32
    %dma_start3A_23 = tpu.memref_slice %arg17[%dma_start3A_22] : memref<512xi32, #tpu.memory_space<vmem>> -> memref<32xi32, #tpu.memory_space<vmem>>
    %dma_start3A_24 = arith.constant 0 : i32
    %dma_start3A_25 = arith.constant 0 : i32
    %dma_start3A_26 = tpu.memref_slice %arg6[%dma_start3A_24, %dma_start3A_25] : memref<1000x128xf32, #tpu.memory_space<hbm>> -> memref<1000x128xf32, #tpu.memory_space<hbm>>
    tpu.enqueue_indirect_dma source(%dma_start3A_26 : memref<1000x128xf32, #tpu.memory_space<hbm>>) target(%arg23 : memref<32x128xf32, #tpu.memory_space<vmem>>) offsets(%dma_start3A_23 : memref<32xi32, #tpu.memory_space<vmem>>) semaphore(%arg33 : memref<!tpu.dma_semaphore, #tpu.memory_space<semaphore_mem>>)
    %dma_start3A_27 = arith.constant 0 : i32
    %dma_start3A_28 = tpu.memref_slice %arg17[%dma_start3A_27] : memref<512xi32, #tpu.memory_space<vmem>> -> memref<32xi32, #tpu.memory_space<vmem>>
    %dma_start3A_29 = arith.constant 0 : i32
    %dma_start3A_30 = arith.constant 0 : i32
    %dma_start3A_31 = tpu.memref_slice %arg7[%dma_start3A_29, %dma_start3A_30] : memref<1000x128xf32, #tpu.memory_space<hbm>> -> memref<1000x128xf32, #tpu.memory_space<hbm>>
    tpu.enqueue_indirect_dma source(%dma_start3A_31 : memref<1000x128xf32, #tpu.memory_space<hbm>>) target(%arg24 : memref<32x128xf32, #tpu.memory_space<vmem>>) offsets(%dma_start3A_28 : memref<32xi32, #tpu.memory_space<vmem>>) semaphore(%arg33 : memref<!tpu.dma_semaphore, #tpu.memory_space<semaphore_mem>>)
    %dma_start3A_32 = arith.constant 0 : i32
    %dma_start3A_33 = tpu.memref_slice %arg17[%dma_start3A_32] : memref<512xi32, #tpu.memory_space<vmem>> -> memref<32xi32, #tpu.memory_space<vmem>>
    %dma_start3A_34 = arith.constant 0 : i32
    %dma_start3A_35 = arith.constant 0 : i32
    %dma_start3A_36 = tpu.memref_slice %arg8[%dma_start3A_34, %dma_start3A_35] : memref<1000x128xf32, #tpu.memory_space<hbm>> -> memref<1000x128xf32, #tpu.memory_space<hbm>>
    tpu.enqueue_indirect_dma source(%dma_start3A_36 : memref<1000x128xf32, #tpu.memory_space<hbm>>) target(%arg25 : memref<32x128xf32, #tpu.memory_space<vmem>>) offsets(%dma_start3A_33 : memref<32xi32, #tpu.memory_space<vmem>>) semaphore(%arg33 : memref<!tpu.dma_semaphore, #tpu.memory_space<semaphore_mem>>)
    %scan3A = arith.constant 0 : i32
    %scan3A_37 = arith.constant 0 : i32
    %scan3A_38 = arith.constant 8 : i32
    %scan3A_39 = arith.addi %scan3A_37, %scan3A_38 : i32
    %scan3A_40 = arith.constant 1 : i32
    scf.for %scan3A_99 = %scan3A_37 to %scan3A_39 step %scan3A_40  : i32 {
      %mul3A_100 = arith.constant 2 : i32
      %mul3A_101 = arith.muli %mul3A_100, %scan3A_99 : i32
      %mul3A_102 = arith.constant 2 : i32
      %mul3A_103 = arith.muli %mul3A_102, %scan3A_99 : i32
      %add3A_104 = arith.constant 1 : i32
      %add3A_105 = arith.addi %mul3A_103, %add3A_104 : i32
      %dma_wait3A_106 = arith.constant 0 : i32
      %dma_wait3A_107 = arith.constant 0 : i32
      %dma_wait3A_108 = tpu.memref_slice %arg9[%dma_wait3A_106, %dma_wait3A_107] : memref<100000x512xf32, #tpu.memory_space<hbm>> -> memref<32x512xf32, #tpu.memory_space<hbm>>
      %dma_wait3A_109 = arith.constant 0 : i32
      %dma_wait3A_110 = arith.constant 0 : i32
      %dma_wait3A_111 = tpu.memref_slice %arg9[%dma_wait3A_109, %dma_wait3A_110] : memref<100000x512xf32, #tpu.memory_space<hbm>> -> memref<32x512xf32, #tpu.memory_space<hbm>>
      tpu.wait_dma2 semaphore(%arg33 : memref<!tpu.dma_semaphore, #tpu.memory_space<semaphore_mem>>) src(%dma_wait3A_111 : memref<32x512xf32, #tpu.memory_space<hbm>>) dst(%arg19 : memref<32x512xf32, #tpu.memory_space<vmem>>)
      %dma_wait3A_112 = arith.constant 0 : i32
      %dma_wait3A_113 = arith.constant 0 : i32
      %dma_wait3A_114 = tpu.memref_slice %arg9[%dma_wait3A_112, %dma_wait3A_113] : memref<100000x512xf32, #tpu.memory_space<hbm>> -> memref<32x512xf32, #tpu.memory_space<hbm>>
      %dma_wait3A_115 = arith.constant 0 : i32
      %dma_wait3A_116 = arith.constant 0 : i32
      %dma_wait3A_117 = tpu.memref_slice %arg9[%dma_wait3A_115, %dma_wait3A_116] : memref<100000x512xf32, #tpu.memory_space<hbm>> -> memref<32x512xf32, #tpu.memory_space<hbm>>
      tpu.wait_dma2 semaphore(%arg33 : memref<!tpu.dma_semaphore, #tpu.memory_space<semaphore_mem>>) src(%dma_wait3A_117 : memref<32x512xf32, #tpu.memory_space<hbm>>) dst(%arg20 : memref<32x512xf32, #tpu.memory_space<vmem>>)
      %dma_wait3A_118 = arith.constant 0 : i32
      %dma_wait3A_119 = arith.constant 0 : i32
      %dma_wait3A_120 = tpu.memref_slice %arg5[%dma_wait3A_118, %dma_wait3A_119] : memref<100000x128xf32, #tpu.memory_space<hbm>> -> memref<32x128xf32, #tpu.memory_space<hbm>>
      %dma_wait3A_121 = arith.constant 0 : i32
      %dma_wait3A_122 = arith.constant 0 : i32
      %dma_wait3A_123 = tpu.memref_slice %arg5[%dma_wait3A_121, %dma_wait3A_122] : memref<100000x128xf32, #tpu.memory_space<hbm>> -> memref<32x128xf32, #tpu.memory_space<hbm>>
      tpu.wait_dma2 semaphore(%arg33 : memref<!tpu.dma_semaphore, #tpu.memory_space<semaphore_mem>>) src(%dma_wait3A_123 : memref<32x128xf32, #tpu.memory_space<hbm>>) dst(%arg21 : memref<32x128xf32, #tpu.memory_space<vmem>>)
      %dma_wait3A_124 = arith.constant 0 : i32
      %dma_wait3A_125 = arith.constant 0 : i32
      %dma_wait3A_126 = tpu.memref_slice %arg5[%dma_wait3A_124, %dma_wait3A_125] : memref<100000x128xf32, #tpu.memory_space<hbm>> -> memref<32x128xf32, #tpu.memory_space<hbm>>
      %dma_wait3A_127 = arith.constant 0 : i32
      %dma_wait3A_128 = arith.constant 0 : i32
      %dma_wait3A_129 = tpu.memref_slice %arg5[%dma_wait3A_127, %dma_wait3A_128] : memref<100000x128xf32, #tpu.memory_space<hbm>> -> memref<32x128xf32, #tpu.memory_space<hbm>>
      tpu.wait_dma2 semaphore(%arg33 : memref<!tpu.dma_semaphore, #tpu.memory_space<semaphore_mem>>) src(%dma_wait3A_129 : memref<32x128xf32, #tpu.memory_space<hbm>>) dst(%arg22 : memref<32x128xf32, #tpu.memory_space<vmem>>)
      %dma_wait3A_130 = arith.constant 0 : i32
      %dma_wait3A_131 = arith.constant 0 : i32
      %dma_wait3A_132 = tpu.memref_slice %arg6[%dma_wait3A_130, %dma_wait3A_131] : memref<1000x128xf32, #tpu.memory_space<hbm>> -> memref<32x128xf32, #tpu.memory_space<hbm>>
      %dma_wait3A_133 = arith.constant 0 : i32
      %dma_wait3A_134 = arith.constant 0 : i32
      %dma_wait3A_135 = tpu.memref_slice %arg6[%dma_wait3A_133, %dma_wait3A_134] : memref<1000x128xf32, #tpu.memory_space<hbm>> -> memref<32x128xf32, #tpu.memory_space<hbm>>
      tpu.wait_dma2 semaphore(%arg33 : memref<!tpu.dma_semaphore, #tpu.memory_space<semaphore_mem>>) src(%dma_wait3A_135 : memref<32x128xf32, #tpu.memory_space<hbm>>) dst(%arg23 : memref<32x128xf32, #tpu.memory_space<vmem>>)
      %dma_wait3A_136 = arith.constant 0 : i32
      %dma_wait3A_137 = arith.constant 0 : i32
      %dma_wait3A_138 = tpu.memref_slice %arg7[%dma_wait3A_136, %dma_wait3A_137] : memref<1000x128xf32, #tpu.memory_space<hbm>> -> memref<32x128xf32, #tpu.memory_space<hbm>>
      %dma_wait3A_139 = arith.constant 0 : i32
      %dma_wait3A_140 = arith.constant 0 : i32
      %dma_wait3A_141 = tpu.memref_slice %arg7[%dma_wait3A_139, %dma_wait3A_140] : memref<1000x128xf32, #tpu.memory_space<hbm>> -> memref<32x128xf32, #tpu.memory_space<hbm>>
      tpu.wait_dma2 semaphore(%arg33 : memref<!tpu.dma_semaphore, #tpu.memory_space<semaphore_mem>>) src(%dma_wait3A_141 : memref<32x128xf32, #tpu.memory_space<hbm>>) dst(%arg24 : memref<32x128xf32, #tpu.memory_space<vmem>>)
      %dma_wait3A_142 = arith.constant 0 : i32
      %dma_wait3A_143 = arith.constant 0 : i32
      %dma_wait3A_144 = tpu.memref_slice %arg8[%dma_wait3A_142, %dma_wait3A_143] : memref<1000x128xf32, #tpu.memory_space<hbm>> -> memref<32x128xf32, #tpu.memory_space<hbm>>
      %dma_wait3A_145 = arith.constant 0 : i32
      %dma_wait3A_146 = arith.constant 0 : i32
      %dma_wait3A_147 = tpu.memref_slice %arg8[%dma_wait3A_145, %dma_wait3A_146] : memref<1000x128xf32, #tpu.memory_space<hbm>> -> memref<32x128xf32, #tpu.memory_space<hbm>>
      tpu.wait_dma2 semaphore(%arg33 : memref<!tpu.dma_semaphore, #tpu.memory_space<semaphore_mem>>) src(%dma_wait3A_147 : memref<32x128xf32, #tpu.memory_space<hbm>>) dst(%arg25 : memref<32x128xf32, #tpu.memory_space<vmem>>)
      %mul3A_148 = arith.constant 32 : i32
      %mul3A_149 = arith.muli %mul3A_101, %mul3A_148 : i32
      %add3A_150 = arith.addi %mul3A_2, %mul3A_149 : i32
      %dma_start3A_151 = arith.constant 0 : i32
      %dma_start3A_152 = tpu.memref_slice %arg10[%add3A_150, %dma_start3A_151] : memref<16384x512xf32, #tpu.memory_space<hbm>> -> memref<32x512xf32, #tpu.memory_space<hbm>>
      %dma_start3A_153 = arith.constant 0 : i32
      %dma_start3A_154 = tpu.memref_slice %arg10[%add3A_150, %dma_start3A_153] : memref<16384x512xf32, #tpu.memory_space<hbm>> -> memref<32x512xf32, #tpu.memory_space<hbm>>
      tpu.enqueue_dma source(%arg19 : memref<32x512xf32, #tpu.memory_space<vmem>>) target(%dma_start3A_154 : memref<32x512xf32, #tpu.memory_space<hbm>>) target_semaphore(%arg35 : memref<!tpu.dma_semaphore, #tpu.memory_space<semaphore_mem>>)
      %dma_start3A_155 = arith.constant 0 : i32
      %dma_start3A_156 = tpu.memref_slice %arg11[%add3A_150, %dma_start3A_155] : memref<16384x512xf32, #tpu.memory_space<hbm>> -> memref<32x512xf32, #tpu.memory_space<hbm>>
      %dma_start3A_157 = arith.constant 0 : i32
      %dma_start3A_158 = tpu.memref_slice %arg11[%add3A_150, %dma_start3A_157] : memref<16384x512xf32, #tpu.memory_space<hbm>> -> memref<32x512xf32, #tpu.memory_space<hbm>>
      tpu.enqueue_dma source(%arg20 : memref<32x512xf32, #tpu.memory_space<vmem>>) target(%dma_start3A_158 : memref<32x512xf32, #tpu.memory_space<hbm>>) target_semaphore(%arg35 : memref<!tpu.dma_semaphore, #tpu.memory_space<semaphore_mem>>)
      %dma_start3A_159 = arith.constant 0 : i32
      %dma_start3A_160 = tpu.memref_slice %arg12[%add3A_150, %dma_start3A_159] : memref<16384x128xf32, #tpu.memory_space<hbm>> -> memref<32x128xf32, #tpu.memory_space<hbm>>
      %dma_start3A_161 = arith.constant 0 : i32
      %dma_start3A_162 = tpu.memref_slice %arg12[%add3A_150, %dma_start3A_161] : memref<16384x128xf32, #tpu.memory_space<hbm>> -> memref<32x128xf32, #tpu.memory_space<hbm>>
      tpu.enqueue_dma source(%arg24 : memref<32x128xf32, #tpu.memory_space<vmem>>) target(%dma_start3A_162 : memref<32x128xf32, #tpu.memory_space<hbm>>) target_semaphore(%arg35 : memref<!tpu.dma_semaphore, #tpu.memory_space<semaphore_mem>>)
      %dma_start3A_163 = arith.constant 0 : i32
      %dma_start3A_164 = tpu.memref_slice %arg13[%add3A_150, %dma_start3A_163] : memref<16384x128xf32, #tpu.memory_space<hbm>> -> memref<32x128xf32, #tpu.memory_space<hbm>>
      %dma_start3A_165 = arith.constant 0 : i32
      %dma_start3A_166 = tpu.memref_slice %arg13[%add3A_150, %dma_start3A_165] : memref<16384x128xf32, #tpu.memory_space<hbm>> -> memref<32x128xf32, #tpu.memory_space<hbm>>
      tpu.enqueue_dma source(%arg25 : memref<32x128xf32, #tpu.memory_space<vmem>>) target(%dma_start3A_166 : memref<32x128xf32, #tpu.memory_space<hbm>>) target_semaphore(%arg35 : memref<!tpu.dma_semaphore, #tpu.memory_space<semaphore_mem>>)
      %mul3A_167 = arith.constant 32 : i32
      %mul3A_168 = arith.muli %add3A_105, %mul3A_167 : i32
      %dma_start3A_169 = tpu.memref_slice %arg15[%mul3A_168] : memref<512xi32, #tpu.memory_space<vmem>> -> memref<32xi32, #tpu.memory_space<vmem>>
      %dma_start3A_170 = arith.constant 0 : i32
      %dma_start3A_171 = arith.constant 0 : i32
      %dma_start3A_172 = tpu.memref_slice %arg9[%dma_start3A_170, %dma_start3A_171] : memref<100000x512xf32, #tpu.memory_space<hbm>> -> memref<100000x512xf32, #tpu.memory_space<hbm>>
      tpu.enqueue_indirect_dma source(%dma_start3A_172 : memref<100000x512xf32, #tpu.memory_space<hbm>>) target(%arg26 : memref<32x512xf32, #tpu.memory_space<vmem>>) offsets(%dma_start3A_169 : memref<32xi32, #tpu.memory_space<vmem>>) semaphore(%arg34 : memref<!tpu.dma_semaphore, #tpu.memory_space<semaphore_mem>>)
      %dma_start3A_173 = tpu.memref_slice %arg16[%mul3A_168] : memref<512xi32, #tpu.memory_space<vmem>> -> memref<32xi32, #tpu.memory_space<vmem>>
      %dma_start3A_174 = arith.constant 0 : i32
      %dma_start3A_175 = arith.constant 0 : i32
      %dma_start3A_176 = tpu.memref_slice %arg9[%dma_start3A_174, %dma_start3A_175] : memref<100000x512xf32, #tpu.memory_space<hbm>> -> memref<100000x512xf32, #tpu.memory_space<hbm>>
      tpu.enqueue_indirect_dma source(%dma_start3A_176 : memref<100000x512xf32, #tpu.memory_space<hbm>>) target(%arg27 : memref<32x512xf32, #tpu.memory_space<vmem>>) offsets(%dma_start3A_173 : memref<32xi32, #tpu.memory_space<vmem>>) semaphore(%arg34 : memref<!tpu.dma_semaphore, #tpu.memory_space<semaphore_mem>>)
      %dma_start3A_177 = tpu.memref_slice %arg15[%mul3A_168] : memref<512xi32, #tpu.memory_space<vmem>> -> memref<32xi32, #tpu.memory_space<vmem>>
      %dma_start3A_178 = arith.constant 0 : i32
      %dma_start3A_179 = arith.constant 0 : i32
      %dma_start3A_180 = tpu.memref_slice %arg5[%dma_start3A_178, %dma_start3A_179] : memref<100000x128xf32, #tpu.memory_space<hbm>> -> memref<100000x128xf32, #tpu.memory_space<hbm>>
      tpu.enqueue_indirect_dma source(%dma_start3A_180 : memref<100000x128xf32, #tpu.memory_space<hbm>>) target(%arg28 : memref<32x128xf32, #tpu.memory_space<vmem>>) offsets(%dma_start3A_177 : memref<32xi32, #tpu.memory_space<vmem>>) semaphore(%arg34 : memref<!tpu.dma_semaphore, #tpu.memory_space<semaphore_mem>>)
      %dma_start3A_181 = tpu.memref_slice %arg16[%mul3A_168] : memref<512xi32, #tpu.memory_space<vmem>> -> memref<32xi32, #tpu.memory_space<vmem>>
      %dma_start3A_182 = arith.constant 0 : i32
      %dma_start3A_183 = arith.constant 0 : i32
      %dma_start3A_184 = tpu.memref_slice %arg5[%dma_start3A_182, %dma_start3A_183] : memref<100000x128xf32, #tpu.memory_space<hbm>> -> memref<100000x128xf32, #tpu.memory_space<hbm>>
      tpu.enqueue_indirect_dma source(%dma_start3A_184 : memref<100000x128xf32, #tpu.memory_space<hbm>>) target(%arg29 : memref<32x128xf32, #tpu.memory_space<vmem>>) offsets(%dma_start3A_181 : memref<32xi32, #tpu.memory_space<vmem>>) semaphore(%arg34 : memref<!tpu.dma_semaphore, #tpu.memory_space<semaphore_mem>>)
      %dma_start3A_185 = tpu.memref_slice %arg17[%mul3A_168] : memref<512xi32, #tpu.memory_space<vmem>> -> memref<32xi32, #tpu.memory_space<vmem>>
      %dma_start3A_186 = arith.constant 0 : i32
      %dma_start3A_187 = arith.constant 0 : i32
      %dma_start3A_188 = tpu.memref_slice %arg6[%dma_start3A_186, %dma_start3A_187] : memref<1000x128xf32, #tpu.memory_space<hbm>> -> memref<1000x128xf32, #tpu.memory_space<hbm>>
      tpu.enqueue_indirect_dma source(%dma_start3A_188 : memref<1000x128xf32, #tpu.memory_space<hbm>>) target(%arg30 : memref<32x128xf32, #tpu.memory_space<vmem>>) offsets(%dma_start3A_185 : memref<32xi32, #tpu.memory_space<vmem>>) semaphore(%arg34 : memref<!tpu.dma_semaphore, #tpu.memory_space<semaphore_mem>>)
      %dma_start3A_189 = tpu.memref_slice %arg17[%mul3A_168] : memref<512xi32, #tpu.memory_space<vmem>> -> memref<32xi32, #tpu.memory_space<vmem>>
      %dma_start3A_190 = arith.constant 0 : i32
      %dma_start3A_191 = arith.constant 0 : i32
      %dma_start3A_192 = tpu.memref_slice %arg7[%dma_start3A_190, %dma_start3A_191] : memref<1000x128xf32, #tpu.memory_space<hbm>> -> memref<1000x128xf32, #tpu.memory_space<hbm>>
      tpu.enqueue_indirect_dma source(%dma_start3A_192 : memref<1000x128xf32, #tpu.memory_space<hbm>>) target(%arg31 : memref<32x128xf32, #tpu.memory_space<vmem>>) offsets(%dma_start3A_189 : memref<32xi32, #tpu.memory_space<vmem>>) semaphore(%arg34 : memref<!tpu.dma_semaphore, #tpu.memory_space<semaphore_mem>>)
      %dma_start3A_193 = tpu.memref_slice %arg17[%mul3A_168] : memref<512xi32, #tpu.memory_space<vmem>> -> memref<32xi32, #tpu.memory_space<vmem>>
      %dma_start3A_194 = arith.constant 0 : i32
      %dma_start3A_195 = arith.constant 0 : i32
      %dma_start3A_196 = tpu.memref_slice %arg8[%dma_start3A_194, %dma_start3A_195] : memref<1000x128xf32, #tpu.memory_space<hbm>> -> memref<1000x128xf32, #tpu.memory_space<hbm>>
      tpu.enqueue_indirect_dma source(%dma_start3A_196 : memref<1000x128xf32, #tpu.memory_space<hbm>>) target(%arg32 : memref<32x128xf32, #tpu.memory_space<vmem>>) offsets(%dma_start3A_193 : memref<32xi32, #tpu.memory_space<vmem>>) semaphore(%arg34 : memref<!tpu.dma_semaphore, #tpu.memory_space<semaphore_mem>>)
      %scan3A_197 = arith.constant 0 : i32
      %scan3A_198 = arith.constant 0 : i32
      %scan3A_199 = arith.constant 32 : i32
      %scan3A_200 = arith.addi %scan3A_198, %scan3A_199 : i32
      %scan3A_201 = arith.constant 1 : i32
      scf.for %scan3A_351 = %scan3A_198 to %scan3A_200 step %scan3A_201  : i32 {
        %broadcast_in_dim3A = arith.constant 0.000000e+00 : f32
        %broadcast_in_dim3A_352 = vector.broadcast %broadcast_in_dim3A : f32 to vector<16xf32>
        %get3A = arith.index_cast %scan3A_351 : i32 to index
        %get3A_353 = arith.constant 0 : index
        %get3A_354 = tpu.vector_load %arg21[%get3A, %get3A_353] {strides = array<i32>} : memref<32x128xf32, #tpu.memory_space<vmem>>, vector<1x16xf32>,
        %get3A_355 = vector.shape_cast %get3A_354 : vector<1x16xf32> to vector<16xf32>
        %get3A_356 = arith.index_cast %scan3A_351 : i32 to index
        %get3A_357 = arith.constant 0 : index
        %get3A_358 = tpu.vector_load %arg23[%get3A_356, %get3A_357] {strides = array<i32>} : memref<32x128xf32, #tpu.memory_space<vmem>>, vector<1x16xf32>,
        %get3A_359 = vector.shape_cast %get3A_358 : vector<1x16xf32> to vector<16xf32>
        %mul3A_360 = arith.mulf %get3A_355, %get3A_359 : vector<16xf32>
        %get3A_361 = arith.index_cast %scan3A_351 : i32 to index
        %get3A_362 = arith.constant 0 : index
        %get3A_363 = tpu.vector_load %arg22[%get3A_361, %get3A_362] {strides = array<i32>} : memref<32x128xf32, #tpu.memory_space<vmem>>, vector<1x16xf32>,
        %get3A_364 = vector.shape_cast %get3A_363 : vector<1x16xf32> to vector<16xf32>
        %mul3A_365 = arith.mulf %mul3A_360, %get3A_364 : vector<16xf32>
        %add3A_366 = arith.addf %broadcast_in_dim3A_352, %mul3A_365 : vector<16xf32>
        %get3A_367 = arith.index_cast %scan3A_351 : i32 to index
        %get3A_368 = arith.constant 16 : index
        %get3A_369 = tpu.vector_load %arg21[%get3A_367, %get3A_368] {strides = array<i32>} : memref<32x128xf32, #tpu.memory_space<vmem>>, vector<1x16xf32>,
        %get3A_370 = vector.shape_cast %get3A_369 : vector<1x16xf32> to vector<16xf32>
        %get3A_371 = arith.index_cast %scan3A_351 : i32 to index
        %get3A_372 = arith.constant 16 : index
        %get3A_373 = tpu.vector_load %arg23[%get3A_371, %get3A_372] {strides = array<i32>} : memref<32x128xf32, #tpu.memory_space<vmem>>, vector<1x16xf32>,
        %get3A_374 = vector.shape_cast %get3A_373 : vector<1x16xf32> to vector<16xf32>
        %mul3A_375 = arith.mulf %get3A_370, %get3A_374 : vector<16xf32>
        %get3A_376 = arith.index_cast %scan3A_351 : i32 to index
        %get3A_377 = arith.constant 16 : index
        %get3A_378 = tpu.vector_load %arg22[%get3A_376, %get3A_377] {strides = array<i32>} : memref<32x128xf32, #tpu.memory_space<vmem>>, vector<1x16xf32>,
        %get3A_379 = vector.shape_cast %get3A_378 : vector<1x16xf32> to vector<16xf32>
        %mul3A_380 = arith.mulf %mul3A_375, %get3A_379 : vector<16xf32>
        %add3A_381 = arith.addf %add3A_366, %mul3A_380 : vector<16xf32>
        %get3A_382 = arith.index_cast %scan3A_351 : i32 to index
        %get3A_383 = arith.constant 32 : index
        %get3A_384 = tpu.vector_load %arg21[%get3A_382, %get3A_383] {strides = array<i32>} : memref<32x128xf32, #tpu.memory_space<vmem>>, vector<1x16xf32>,
        %get3A_385 = vector.shape_cast %get3A_384 : vector<1x16xf32> to vector<16xf32>
        %get3A_386 = arith.index_cast %scan3A_351 : i32 to index
        %get3A_387 = arith.constant 32 : index
        %get3A_388 = tpu.vector_load %arg23[%get3A_386, %get3A_387] {strides = array<i32>} : memref<32x128xf32, #tpu.memory_space<vmem>>, vector<1x16xf32>,
        %get3A_389 = vector.shape_cast %get3A_388 : vector<1x16xf32> to vector<16xf32>
        %mul3A_390 = arith.mulf %get3A_385, %get3A_389 : vector<16xf32>
        %get3A_391 = arith.index_cast %scan3A_351 : i32 to index
        %get3A_392 = arith.constant 32 : index
        %get3A_393 = tpu.vector_load %arg22[%get3A_391, %get3A_392] {strides = array<i32>} : memref<32x128xf32, #tpu.memory_space<vmem>>, vector<1x16xf32>,
        %get3A_394 = vector.shape_cast %get3A_393 : vector<1x16xf32> to vector<16xf32>
        %mul3A_395 = arith.mulf %mul3A_390, %get3A_394 : vector<16xf32>
        %add3A_396 = arith.addf %add3A_381, %mul3A_395 : vector<16xf32>
        %get3A_397 = arith.index_cast %scan3A_351 : i32 to index
        %get3A_398 = arith.constant 48 : index
        %get3A_399 = tpu.vector_load %arg21[%get3A_397, %get3A_398] {strides = array<i32>} : memref<32x128xf32, #tpu.memory_space<vmem>>, vector<1x16xf32>,
        %get3A_400 = vector.shape_cast %get3A_399 : vector<1x16xf32> to vector<16xf32>
        %get3A_401 = arith.index_cast %scan3A_351 : i32 to index
        %get3A_402 = arith.constant 48 : index
        %get3A_403 = tpu.vector_load %arg23[%get3A_401, %get3A_402] {strides = array<i32>} : memref<32x128xf32, #tpu.memory_space<vmem>>, vector<1x16xf32>,
        %get3A_404 = vector.shape_cast %get3A_403 : vector<1x16xf32> to vector<16xf32>
        %mul3A_405 = arith.mulf %get3A_400, %get3A_404 : vector<16xf32>
        %get3A_406 = arith.index_cast %scan3A_351 : i32 to index
        %get3A_407 = arith.constant 48 : index
        %get3A_408 = tpu.vector_load %arg22[%get3A_406, %get3A_407] {strides = array<i32>} : memref<32x128xf32, #tpu.memory_space<vmem>>, vector<1x16xf32>,
        %get3A_409 = vector.shape_cast %get3A_408 : vector<1x16xf32> to vector<16xf32>
        %mul3A_410 = arith.mulf %mul3A_405, %get3A_409 : vector<16xf32>
        %add3A_411 = arith.addf %add3A_396, %mul3A_410 : vector<16xf32>
        %get3A_412 = arith.index_cast %scan3A_351 : i32 to index
        %get3A_413 = arith.constant 64 : index
        %get3A_414 = tpu.vector_load %arg21[%get3A_412, %get3A_413] {strides = array<i32>} : memref<32x128xf32, #tpu.memory_space<vmem>>, vector<1x16xf32>,
        %get3A_415 = vector.shape_cast %get3A_414 : vector<1x16xf32> to vector<16xf32>
        %get3A_416 = arith.index_cast %scan3A_351 : i32 to index
        %get3A_417 = arith.constant 64 : index
        %get3A_418 = tpu.vector_load %arg23[%get3A_416, %get3A_417] {strides = array<i32>} : memref<32x128xf32, #tpu.memory_space<vmem>>, vector<1x16xf32>,
        %get3A_419 = vector.shape_cast %get3A_418 : vector<1x16xf32> to vector<16xf32>
        %mul3A_420 = arith.mulf %get3A_415, %get3A_419 : vector<16xf32>
        %get3A_421 = arith.index_cast %scan3A_351 : i32 to index
        %get3A_422 = arith.constant 64 : index
        %get3A_423 = tpu.vector_load %arg22[%get3A_421, %get3A_422] {strides = array<i32>} : memref<32x128xf32, #tpu.memory_space<vmem>>, vector<1x16xf32>,
        %get3A_424 = vector.shape_cast %get3A_423 : vector<1x16xf32> to vector<16xf32>
        %mul3A_425 = arith.mulf %mul3A_420, %get3A_424 : vector<16xf32>
        %add3A_426 = arith.addf %add3A_411, %mul3A_425 : vector<16xf32>
        %get3A_427 = arith.index_cast %scan3A_351 : i32 to index
        %get3A_428 = arith.constant 80 : index
        %get3A_429 = tpu.vector_load %arg21[%get3A_427, %get3A_428] {strides = array<i32>} : memref<32x128xf32, #tpu.memory_space<vmem>>, vector<1x16xf32>,
        %get3A_430 = vector.shape_cast %get3A_429 : vector<1x16xf32> to vector<16xf32>
        %get3A_431 = arith.index_cast %scan3A_351 : i32 to index
        %get3A_432 = arith.constant 80 : index
        %get3A_433 = tpu.vector_load %arg23[%get3A_431, %get3A_432] {strides = array<i32>} : memref<32x128xf32, #tpu.memory_space<vmem>>, vector<1x16xf32>,
        %get3A_434 = vector.shape_cast %get3A_433 : vector<1x16xf32> to vector<16xf32>
        %mul3A_435 = arith.mulf %get3A_430, %get3A_434 : vector<16xf32>
        %get3A_436 = arith.index_cast %scan3A_351 : i32 to index
        %get3A_437 = arith.constant 80 : index
        %get3A_438 = tpu.vector_load %arg22[%get3A_436, %get3A_437] {strides = array<i32>} : memref<32x128xf32, #tpu.memory_space<vmem>>, vector<1x16xf32>,
        %get3A_439 = vector.shape_cast %get3A_438 : vector<1x16xf32> to vector<16xf32>
        %mul3A_440 = arith.mulf %mul3A_435, %get3A_439 : vector<16xf32>
        %add3A_441 = arith.addf %add3A_426, %mul3A_440 : vector<16xf32>
        %get3A_442 = arith.index_cast %scan3A_351 : i32 to index
        %get3A_443 = arith.constant 96 : index
        %get3A_444 = tpu.vector_load %arg21[%get3A_442, %get3A_443] {strides = array<i32>} : memref<32x128xf32, #tpu.memory_space<vmem>>, vector<1x16xf32>,
        %get3A_445 = vector.shape_cast %get3A_444 : vector<1x16xf32> to vector<16xf32>
        %get3A_446 = arith.index_cast %scan3A_351 : i32 to index
        %get3A_447 = arith.constant 96 : index
        %get3A_448 = tpu.vector_load %arg23[%get3A_446, %get3A_447] {strides = array<i32>} : memref<32x128xf32, #tpu.memory_space<vmem>>, vector<1x16xf32>,
        %get3A_449 = vector.shape_cast %get3A_448 : vector<1x16xf32> to vector<16xf32>
        %mul3A_450 = arith.mulf %get3A_445, %get3A_449 : vector<16xf32>
        %get3A_451 = arith.index_cast %scan3A_351 : i32 to index
        %get3A_452 = arith.constant 96 : index
        %get3A_453 = tpu.vector_load %arg22[%get3A_451, %get3A_452] {strides = array<i32>} : memref<32x128xf32, #tpu.memory_space<vmem>>, vector<1x16xf32>,
        %get3A_454 = vector.shape_cast %get3A_453 : vector<1x16xf32> to vector<16xf32>
        %mul3A_455 = arith.mulf %mul3A_450, %get3A_454 : vector<16xf32>
        %add3A_456 = arith.addf %add3A_441, %mul3A_455 : vector<16xf32>
        %get3A_457 = arith.index_cast %scan3A_351 : i32 to index
        %get3A_458 = arith.constant 112 : index
        %get3A_459 = tpu.vector_load %arg21[%get3A_457, %get3A_458] {strides = array<i32>} : memref<32x128xf32, #tpu.memory_space<vmem>>, vector<1x16xf32>,
        %get3A_460 = vector.shape_cast %get3A_459 : vector<1x16xf32> to vector<16xf32>
        %get3A_461 = arith.index_cast %scan3A_351 : i32 to index
        %get3A_462 = arith.constant 112 : index
        %get3A_463 = tpu.vector_load %arg23[%get3A_461, %get3A_462] {strides = array<i32>} : memref<32x128xf32, #tpu.memory_space<vmem>>, vector<1x16xf32>,
        %get3A_464 = vector.shape_cast %get3A_463 : vector<1x16xf32> to vector<16xf32>
        %mul3A_465 = arith.mulf %get3A_460, %get3A_464 : vector<16xf32>
        %get3A_466 = arith.index_cast %scan3A_351 : i32 to index
        %get3A_467 = arith.constant 112 : index
        %get3A_468 = tpu.vector_load %arg22[%get3A_466, %get3A_467] {strides = array<i32>} : memref<32x128xf32, #tpu.memory_space<vmem>>, vector<1x16xf32>,
        %get3A_469 = vector.shape_cast %get3A_468 : vector<1x16xf32> to vector<16xf32>
        %mul3A_470 = arith.mulf %mul3A_465, %get3A_469 : vector<16xf32>
        %add3A_471 = arith.addf %add3A_456, %mul3A_470 : vector<16xf32>
        %mul3A_472 = arith.constant 32 : i32
        %mul3A_473 = arith.muli %mul3A_101, %mul3A_472 : i32
        %add3A_474 = arith.addi %mul3A_473, %scan3A_351 : i32
        %jit3A_475 = arith.constant 8 : i32
        %div3A_476 = arith.divsi %add3A_474, %jit3A_475 : i32
        %sign3A_477 = arith.constant 0 : i32
        %sign3A_478 = arith.cmpi sgt, %add3A_474, %sign3A_477 : i32
        %sign3A_479 = arith.extui %sign3A_478 : i1 to i32
        %sign3A_480 = arith.constant 0 : i32
        %sign3A_481 = arith.cmpi slt, %add3A_474, %sign3A_480 : i32
        %sign3A_482 = arith.extui %sign3A_481 : i1 to i32
        %sign3A_483 = arith.subi %sign3A_479, %sign3A_482 : i32
        %sign3A_484 = arith.constant 0 : i32
        %sign3A_485 = arith.cmpi sgt, %jit3A_475, %sign3A_484 : i32
        %sign3A_486 = arith.extui %sign3A_485 : i1 to i32
        %sign3A_487 = arith.constant 0 : i32
        %sign3A_488 = arith.cmpi slt, %jit3A_475, %sign3A_487 : i32
        %sign3A_489 = arith.extui %sign3A_488 : i1 to i32
        %sign3A_490 = arith.subi %sign3A_486, %sign3A_489 : i32
        %ne3A_491 = arith.cmpi ne, %sign3A_483, %sign3A_490 : i32
        %rem3A_492 = arith.remsi %add3A_474, %jit3A_475 : i32
        %ne3A_493 = arith.constant 0 : i32
        %ne3A_494 = arith.cmpi ne, %rem3A_492, %ne3A_493 : i32
        %and3A_495 = arith.andi %ne3A_491, %ne3A_494 : i1
        %sub3A_496 = arith.constant 1 : i32
        %sub3A_497 = arith.subi %div3A_476, %sub3A_496 : i32
        %select_n3A_498 = arith.select %and3A_495, %sub3A_497, %div3A_476 : i32
        %jit3A_499 = arith.constant 8 : i32
        %eq3A = arith.constant 0 : i32
        %eq3A_500 = arith.cmpi eq, %jit3A_499, %eq3A : i32
        %jit3A_501 = arith.constant 1 : i32
        %select_n3A_502 = arith.select %eq3A_500, %jit3A_501, %jit3A_499 : i32
        %rem3A_503 = arith.remsi %add3A_474, %select_n3A_502 : i32
        %ne3A_504 = arith.constant 0 : i32
        %ne3A_505 = arith.cmpi ne, %rem3A_503, %ne3A_504 : i32
        %lt3A = arith.constant 0 : i32
        %lt3A_506 = arith.cmpi slt, %rem3A_503, %lt3A : i32
        %lt3A_507 = arith.constant 0 : i32
        %lt3A_508 = arith.cmpi slt, %select_n3A_502, %lt3A_507 : i32
        %ne3A_509 = arith.xori %lt3A_506, %lt3A_508 : i1
        %and3A_510 = arith.andi %ne3A_509, %ne3A_505 : i1
        %add3A_511 = arith.addi %rem3A_503, %select_n3A_502 : i32
        %select_n3A_512 = arith.select %and3A_510, %add3A_511, %rem3A_503 : i32
        %mul3A_513 = arith.constant 16 : i32
        %mul3A_514 = arith.muli %select_n3A_512, %mul3A_513 : i32
        %swap3A = arith.index_cast %select_n3A_498 : i32 to index
        %swap3A_515 = arith.index_cast %mul3A_514 : i32 to index
        %swap3A_516 = tpu.vector_load %arg18[%swap3A, %swap3A_515] {strides = array<i32>} : memref<64x128xf32, #tpu.memory_space<vmem>>, vector<1x16xf32>,
        %swap3A_517 = vector.shape_cast %swap3A_516 : vector<1x16xf32> to vector<16xf32>
        %swap3A_518 = vector.shape_cast %add3A_471 : vector<16xf32> to vector<1x16xf32>
        tpu.vector_store %arg18[%swap3A, %swap3A_515], %swap3A_518 {strides = array<i32>} : memref<64x128xf32, #tpu.memory_space<vmem>>, vector<1x16xf32>,
      }
      %scan3A_202 = arith.constant 32 : i32
      %dma_wait3A_203 = arith.constant 0 : i32
      %dma_wait3A_204 = arith.constant 0 : i32
      %dma_wait3A_205 = tpu.memref_slice %arg9[%dma_wait3A_203, %dma_wait3A_204] : memref<100000x512xf32, #tpu.memory_space<hbm>> -> memref<32x512xf32, #tpu.memory_space<hbm>>
      %dma_wait3A_206 = arith.constant 0 : i32
      %dma_wait3A_207 = arith.constant 0 : i32
      %dma_wait3A_208 = tpu.memref_slice %arg9[%dma_wait3A_206, %dma_wait3A_207] : memref<100000x512xf32, #tpu.memory_space<hbm>> -> memref<32x512xf32, #tpu.memory_space<hbm>>
      tpu.wait_dma2 semaphore(%arg34 : memref<!tpu.dma_semaphore, #tpu.memory_space<semaphore_mem>>) src(%dma_wait3A_208 : memref<32x512xf32, #tpu.memory_space<hbm>>) dst(%arg26 : memref<32x512xf32, #tpu.memory_space<vmem>>)
      %dma_wait3A_209 = arith.constant 0 : i32
      %dma_wait3A_210 = arith.constant 0 : i32
      %dma_wait3A_211 = tpu.memref_slice %arg9[%dma_wait3A_209, %dma_wait3A_210] : memref<100000x512xf32, #tpu.memory_space<hbm>> -> memref<32x512xf32, #tpu.memory_space<hbm>>
      %dma_wait3A_212 = arith.constant 0 : i32
      %dma_wait3A_213 = arith.constant 0 : i32
      %dma_wait3A_214 = tpu.memref_slice %arg9[%dma_wait3A_212, %dma_wait3A_213] : memref<100000x512xf32, #tpu.memory_space<hbm>> -> memref<32x512xf32, #tpu.memory_space<hbm>>
      tpu.wait_dma2 semaphore(%arg34 : memref<!tpu.dma_semaphore, #tpu.memory_space<semaphore_mem>>) src(%dma_wait3A_214 : memref<32x512xf32, #tpu.memory_space<hbm>>) dst(%arg27 : memref<32x512xf32, #tpu.memory_space<vmem>>)
      %dma_wait3A_215 = arith.constant 0 : i32
      %dma_wait3A_216 = arith.constant 0 : i32
      %dma_wait3A_217 = tpu.memref_slice %arg5[%dma_wait3A_215, %dma_wait3A_216] : memref<100000x128xf32, #tpu.memory_space<hbm>> -> memref<32x128xf32, #tpu.memory_space<hbm>>
      %dma_wait3A_218 = arith.constant 0 : i32
      %dma_wait3A_219 = arith.constant 0 : i32
      %dma_wait3A_220 = tpu.memref_slice %arg5[%dma_wait3A_218, %dma_wait3A_219] : memref<100000x128xf32, #tpu.memory_space<hbm>> -> memref<32x128xf32, #tpu.memory_space<hbm>>
      tpu.wait_dma2 semaphore(%arg34 : memref<!tpu.dma_semaphore, #tpu.memory_space<semaphore_mem>>) src(%dma_wait3A_220 : memref<32x128xf32, #tpu.memory_space<hbm>>) dst(%arg28 : memref<32x128xf32, #tpu.memory_space<vmem>>)
      %dma_wait3A_221 = arith.constant 0 : i32
      %dma_wait3A_222 = arith.constant 0 : i32
      %dma_wait3A_223 = tpu.memref_slice %arg5[%dma_wait3A_221, %dma_wait3A_222] : memref<100000x128xf32, #tpu.memory_space<hbm>> -> memref<32x128xf32, #tpu.memory_space<hbm>>
      %dma_wait3A_224 = arith.constant 0 : i32
      %dma_wait3A_225 = arith.constant 0 : i32
      %dma_wait3A_226 = tpu.memref_slice %arg5[%dma_wait3A_224, %dma_wait3A_225] : memref<100000x128xf32, #tpu.memory_space<hbm>> -> memref<32x128xf32, #tpu.memory_space<hbm>>
      tpu.wait_dma2 semaphore(%arg34 : memref<!tpu.dma_semaphore, #tpu.memory_space<semaphore_mem>>) src(%dma_wait3A_226 : memref<32x128xf32, #tpu.memory_space<hbm>>) dst(%arg29 : memref<32x128xf32, #tpu.memory_space<vmem>>)
      %dma_wait3A_227 = arith.constant 0 : i32
      %dma_wait3A_228 = arith.constant 0 : i32
      %dma_wait3A_229 = tpu.memref_slice %arg6[%dma_wait3A_227, %dma_wait3A_228] : memref<1000x128xf32, #tpu.memory_space<hbm>> -> memref<32x128xf32, #tpu.memory_space<hbm>>
      %dma_wait3A_230 = arith.constant 0 : i32
      %dma_wait3A_231 = arith.constant 0 : i32
      %dma_wait3A_232 = tpu.memref_slice %arg6[%dma_wait3A_230, %dma_wait3A_231] : memref<1000x128xf32, #tpu.memory_space<hbm>> -> memref<32x128xf32, #tpu.memory_space<hbm>>
      tpu.wait_dma2 semaphore(%arg34 : memref<!tpu.dma_semaphore, #tpu.memory_space<semaphore_mem>>) src(%dma_wait3A_232 : memref<32x128xf32, #tpu.memory_space<hbm>>) dst(%arg30 : memref<32x128xf32, #tpu.memory_space<vmem>>)
      %dma_wait3A_233 = arith.constant 0 : i32
      %dma_wait3A_234 = arith.constant 0 : i32
      %dma_wait3A_235 = tpu.memref_slice %arg7[%dma_wait3A_233, %dma_wait3A_234] : memref<1000x128xf32, #tpu.memory_space<hbm>> -> memref<32x128xf32, #tpu.memory_space<hbm>>
      %dma_wait3A_236 = arith.constant 0 : i32
      %dma_wait3A_237 = arith.constant 0 : i32
      %dma_wait3A_238 = tpu.memref_slice %arg7[%dma_wait3A_236, %dma_wait3A_237] : memref<1000x128xf32, #tpu.memory_space<hbm>> -> memref<32x128xf32, #tpu.memory_space<hbm>>
      tpu.wait_dma2 semaphore(%arg34 : memref<!tpu.dma_semaphore, #tpu.memory_space<semaphore_mem>>) src(%dma_wait3A_238 : memref<32x128xf32, #tpu.memory_space<hbm>>) dst(%arg31 : memref<32x128xf32, #tpu.memory_space<vmem>>)
      %dma_wait3A_239 = arith.constant 0 : i32
      %dma_wait3A_240 = arith.constant 0 : i32
      %dma_wait3A_241 = tpu.memref_slice %arg8[%dma_wait3A_239, %dma_wait3A_240] : memref<1000x128xf32, #tpu.memory_space<hbm>> -> memref<32x128xf32, #tpu.memory_space<hbm>>
      %dma_wait3A_242 = arith.constant 0 : i32
      %dma_wait3A_243 = arith.constant 0 : i32
      %dma_wait3A_244 = tpu.memref_slice %arg8[%dma_wait3A_242, %dma_wait3A_243] : memref<1000x128xf32, #tpu.memory_space<hbm>> -> memref<32x128xf32, #tpu.memory_space<hbm>>
      tpu.wait_dma2 semaphore(%arg34 : memref<!tpu.dma_semaphore, #tpu.memory_space<semaphore_mem>>) src(%dma_wait3A_244 : memref<32x128xf32, #tpu.memory_space<hbm>>) dst(%arg32 : memref<32x128xf32, #tpu.memory_space<vmem>>)
      %mul3A_245 = arith.constant 32 : i32
      %mul3A_246 = arith.muli %add3A_105, %mul3A_245 : i32
      %add3A_247 = arith.addi %mul3A_2, %mul3A_246 : i32
      %dma_start3A_248 = arith.constant 0 : i32
      %dma_start3A_249 = tpu.memref_slice %arg10[%add3A_247, %dma_start3A_248] : memref<16384x512xf32, #tpu.memory_space<hbm>> -> memref<32x512xf32, #tpu.memory_space<hbm>>
      %dma_start3A_250 = arith.constant 0 : i32
      %dma_start3A_251 = tpu.memref_slice %arg10[%add3A_247, %dma_start3A_250] : memref<16384x512xf32, #tpu.memory_space<hbm>> -> memref<32x512xf32, #tpu.memory_space<hbm>>
      tpu.enqueue_dma source(%arg26 : memref<32x512xf32, #tpu.memory_space<vmem>>) target(%dma_start3A_251 : memref<32x512xf32, #tpu.memory_space<hbm>>) target_semaphore(%arg36 : memref<!tpu.dma_semaphore, #tpu.memory_space<semaphore_mem>>)
      %dma_start3A_252 = arith.constant 0 : i32
      %dma_start3A_253 = tpu.memref_slice %arg11[%add3A_247, %dma_start3A_252] : memref<16384x512xf32, #tpu.memory_space<hbm>> -> memref<32x512xf32, #tpu.memory_space<hbm>>
      %dma_start3A_254 = arith.constant 0 : i32
      %dma_start3A_255 = tpu.memref_slice %arg11[%add3A_247, %dma_start3A_254] : memref<16384x512xf32, #tpu.memory_space<hbm>> -> memref<32x512xf32, #tpu.memory_space<hbm>>
      tpu.enqueue_dma source(%arg27 : memref<32x512xf32, #tpu.memory_space<vmem>>) target(%dma_start3A_255 : memref<32x512xf32, #tpu.memory_space<hbm>>) target_semaphore(%arg36 : memref<!tpu.dma_semaphore, #tpu.memory_space<semaphore_mem>>)
      %dma_start3A_256 = arith.constant 0 : i32
      %dma_start3A_257 = tpu.memref_slice %arg12[%add3A_247, %dma_start3A_256] : memref<16384x128xf32, #tpu.memory_space<hbm>> -> memref<32x128xf32, #tpu.memory_space<hbm>>
      %dma_start3A_258 = arith.constant 0 : i32
      %dma_start3A_259 = tpu.memref_slice %arg12[%add3A_247, %dma_start3A_258] : memref<16384x128xf32, #tpu.memory_space<hbm>> -> memref<32x128xf32, #tpu.memory_space<hbm>>
      tpu.enqueue_dma source(%arg31 : memref<32x128xf32, #tpu.memory_space<vmem>>) target(%dma_start3A_259 : memref<32x128xf32, #tpu.memory_space<hbm>>) target_semaphore(%arg36 : memref<!tpu.dma_semaphore, #tpu.memory_space<semaphore_mem>>)
      %dma_start3A_260 = arith.constant 0 : i32
      %dma_start3A_261 = tpu.memref_slice %arg13[%add3A_247, %dma_start3A_260] : memref<16384x128xf32, #tpu.memory_space<hbm>> -> memref<32x128xf32, #tpu.memory_space<hbm>>
      %dma_start3A_262 = arith.constant 0 : i32
      %dma_start3A_263 = tpu.memref_slice %arg13[%add3A_247, %dma_start3A_262] : memref<16384x128xf32, #tpu.memory_space<hbm>> -> memref<32x128xf32, #tpu.memory_space<hbm>>
      tpu.enqueue_dma source(%arg32 : memref<32x128xf32, #tpu.memory_space<vmem>>) target(%dma_start3A_263 : memref<32x128xf32, #tpu.memory_space<hbm>>) target_semaphore(%arg36 : memref<!tpu.dma_semaphore, #tpu.memory_space<semaphore_mem>>)
      %dma_wait3A_264 = arith.constant 0 : i32
      %dma_wait3A_265 = arith.constant 0 : i32
      %dma_wait3A_266 = tpu.memref_slice %arg10[%dma_wait3A_264, %dma_wait3A_265] : memref<16384x512xf32, #tpu.memory_space<hbm>> -> memref<32x512xf32, #tpu.memory_space<hbm>>
      %dma_wait3A_267 = arith.constant 0 : i32
      %dma_wait3A_268 = arith.constant 0 : i32
      %dma_wait3A_269 = tpu.memref_slice %arg10[%dma_wait3A_267, %dma_wait3A_268] : memref<16384x512xf32, #tpu.memory_space<hbm>> -> memref<32x512xf32, #tpu.memory_space<hbm>>
      tpu.wait_dma2 semaphore(%arg35 : memref<!tpu.dma_semaphore, #tpu.memory_space<semaphore_mem>>) src(%arg19 : memref<32x512xf32, #tpu.memory_space<vmem>>) dst(%dma_wait3A_269 : memref<32x512xf32, #tpu.memory_space<hbm>>)
      %dma_wait3A_270 = arith.constant 0 : i32
      %dma_wait3A_271 = arith.constant 0 : i32
      %dma_wait3A_272 = tpu.memref_slice %arg11[%dma_wait3A_270, %dma_wait3A_271] : memref<16384x512xf32, #tpu.memory_space<hbm>> -> memref<32x512xf32, #tpu.memory_space<hbm>>
      %dma_wait3A_273 = arith.constant 0 : i32
      %dma_wait3A_274 = arith.constant 0 : i32
      %dma_wait3A_275 = tpu.memref_slice %arg11[%dma_wait3A_273, %dma_wait3A_274] : memref<16384x512xf32, #tpu.memory_space<hbm>> -> memref<32x512xf32, #tpu.memory_space<hbm>>
      tpu.wait_dma2 semaphore(%arg35 : memref<!tpu.dma_semaphore, #tpu.memory_space<semaphore_mem>>) src(%arg20 : memref<32x512xf32, #tpu.memory_space<vmem>>) dst(%dma_wait3A_275 : memref<32x512xf32, #tpu.memory_space<hbm>>)
      %dma_wait3A_276 = arith.constant 0 : i32
      %dma_wait3A_277 = arith.constant 0 : i32
      %dma_wait3A_278 = tpu.memref_slice %arg12[%dma_wait3A_276, %dma_wait3A_277] : memref<16384x128xf32, #tpu.memory_space<hbm>> -> memref<32x128xf32, #tpu.memory_space<hbm>>
      %dma_wait3A_279 = arith.constant 0 : i32
      %dma_wait3A_280 = arith.constant 0 : i32
      %dma_wait3A_281 = tpu.memref_slice %arg12[%dma_wait3A_279, %dma_wait3A_280] : memref<16384x128xf32, #tpu.memory_space<hbm>> -> memref<32x128xf32, #tpu.memory_space<hbm>>
      tpu.wait_dma2 semaphore(%arg35 : memref<!tpu.dma_semaphore, #tpu.memory_space<semaphore_mem>>) src(%arg24 : memref<32x128xf32, #tpu.memory_space<vmem>>) dst(%dma_wait3A_281 : memref<32x128xf32, #tpu.memory_space<hbm>>)
      %dma_wait3A_282 = arith.constant 0 : i32
      %dma_wait3A_283 = arith.constant 0 : i32
      %dma_wait3A_284 = tpu.memref_slice %arg13[%dma_wait3A_282, %dma_wait3A_283] : memref<16384x128xf32, #tpu.memory_space<hbm>> -> memref<32x128xf32, #tpu.memory_space<hbm>>
      %dma_wait3A_285 = arith.constant 0 : i32
      %dma_wait3A_286 = arith.constant 0 : i32
      %dma_wait3A_287 = tpu.memref_slice %arg13[%dma_wait3A_285, %dma_wait3A_286] : memref<16384x128xf32, #tpu.memory_space<hbm>> -> memref<32x128xf32, #tpu.memory_space<hbm>>
      tpu.wait_dma2 semaphore(%arg35 : memref<!tpu.dma_semaphore, #tpu.memory_space<semaphore_mem>>) src(%arg25 : memref<32x128xf32, #tpu.memory_space<vmem>>) dst(%dma_wait3A_287 : memref<32x128xf32, #tpu.memory_space<hbm>>)
      %add3A_288 = arith.constant 2 : i32
      %add3A_289 = arith.addi %mul3A_101, %add3A_288 : i32
      %min3A = arith.constant 15 : i32
      %min3A_290 = arith.minsi %add3A_289, %min3A : i32
      %mul3A_291 = arith.constant 32 : i32
      %mul3A_292 = arith.muli %min3A_290, %mul3A_291 : i32
      %dma_start3A_293 = tpu.memref_slice %arg15[%mul3A_292] : memref<512xi32, #tpu.memory_space<vmem>> -> memref<32xi32, #tpu.memory_space<vmem>>
      %dma_start3A_294 = arith.constant 0 : i32
      %dma_start3A_295 = arith.constant 0 : i32
      %dma_start3A_296 = tpu.memref_slice %arg9[%dma_start3A_294, %dma_start3A_295] : memref<100000x512xf32, #tpu.memory_space<hbm>> -> memref<100000x512xf32, #tpu.memory_space<hbm>>
      tpu.enqueue_indirect_dma source(%dma_start3A_296 : memref<100000x512xf32, #tpu.memory_space<hbm>>) target(%arg19 : memref<32x512xf32, #tpu.memory_space<vmem>>) offsets(%dma_start3A_293 : memref<32xi32, #tpu.memory_space<vmem>>) semaphore(%arg33 : memref<!tpu.dma_semaphore, #tpu.memory_space<semaphore_mem>>)
      %dma_start3A_297 = tpu.memref_slice %arg16[%mul3A_292] : memref<512xi32, #tpu.memory_space<vmem>> -> memref<32xi32, #tpu.memory_space<vmem>>
      %dma_start3A_298 = arith.constant 0 : i32
      %dma_start3A_299 = arith.constant 0 : i32
      %dma_start3A_300 = tpu.memref_slice %arg9[%dma_start3A_298, %dma_start3A_299] : memref<100000x512xf32, #tpu.memory_space<hbm>> -> memref<100000x512xf32, #tpu.memory_space<hbm>>
      tpu.enqueue_indirect_dma source(%dma_start3A_300 : memref<100000x512xf32, #tpu.memory_space<hbm>>) target(%arg20 : memref<32x512xf32, #tpu.memory_space<vmem>>) offsets(%dma_start3A_297 : memref<32xi32, #tpu.memory_space<vmem>>) semaphore(%arg33 : memref<!tpu.dma_semaphore, #tpu.memory_space<semaphore_mem>>)
      %dma_start3A_301 = tpu.memref_slice %arg15[%mul3A_292] : memref<512xi32, #tpu.memory_space<vmem>> -> memref<32xi32, #tpu.memory_space<vmem>>
      %dma_start3A_302 = arith.constant 0 : i32
      %dma_start3A_303 = arith.constant 0 : i32
      %dma_start3A_304 = tpu.memref_slice %arg5[%dma_start3A_302, %dma_start3A_303] : memref<100000x128xf32, #tpu.memory_space<hbm>> -> memref<100000x128xf32, #tpu.memory_space<hbm>>
      tpu.enqueue_indirect_dma source(%dma_start3A_304 : memref<100000x128xf32, #tpu.memory_space<hbm>>) target(%arg21 : memref<32x128xf32, #tpu.memory_space<vmem>>) offsets(%dma_start3A_301 : memref<32xi32, #tpu.memory_space<vmem>>) semaphore(%arg33 : memref<!tpu.dma_semaphore, #tpu.memory_space<semaphore_mem>>)
      %dma_start3A_305 = tpu.memref_slice %arg16[%mul3A_292] : memref<512xi32, #tpu.memory_space<vmem>> -> memref<32xi32, #tpu.memory_space<vmem>>
      %dma_start3A_306 = arith.constant 0 : i32
      %dma_start3A_307 = arith.constant 0 : i32
      %dma_start3A_308 = tpu.memref_slice %arg5[%dma_start3A_306, %dma_start3A_307] : memref<100000x128xf32, #tpu.memory_space<hbm>> -> memref<100000x128xf32, #tpu.memory_space<hbm>>
      tpu.enqueue_indirect_dma source(%dma_start3A_308 : memref<100000x128xf32, #tpu.memory_space<hbm>>) target(%arg22 : memref<32x128xf32, #tpu.memory_space<vmem>>) offsets(%dma_start3A_305 : memref<32xi32, #tpu.memory_space<vmem>>) semaphore(%arg33 : memref<!tpu.dma_semaphore, #tpu.memory_space<semaphore_mem>>)
      %dma_start3A_309 = tpu.memref_slice %arg17[%mul3A_292] : memref<512xi32, #tpu.memory_space<vmem>> -> memref<32xi32, #tpu.memory_space<vmem>>
      %dma_start3A_310 = arith.constant 0 : i32
      %dma_start3A_311 = arith.constant 0 : i32
      %dma_start3A_312 = tpu.memref_slice %arg6[%dma_start3A_310, %dma_start3A_311] : memref<1000x128xf32, #tpu.memory_space<hbm>> -> memref<1000x128xf32, #tpu.memory_space<hbm>>
      tpu.enqueue_indirect_dma source(%dma_start3A_312 : memref<1000x128xf32, #tpu.memory_space<hbm>>) target(%arg23 : memref<32x128xf32, #tpu.memory_space<vmem>>) offsets(%dma_start3A_309 : memref<32xi32, #tpu.memory_space<vmem>>) semaphore(%arg33 : memref<!tpu.dma_semaphore, #tpu.memory_space<semaphore_mem>>)
      %dma_start3A_313 = tpu.memref_slice %arg17[%mul3A_292] : memref<512xi32, #tpu.memory_space<vmem>> -> memref<32xi32, #tpu.memory_space<vmem>>
      %dma_start3A_314 = arith.constant 0 : i32
      %dma_start3A_315 = arith.constant 0 : i32
      %dma_start3A_316 = tpu.memref_slice %arg7[%dma_start3A_314, %dma_start3A_315] : memref<1000x128xf32, #tpu.memory_space<hbm>> -> memref<1000x128xf32, #tpu.memory_space<hbm>>
      tpu.enqueue_indirect_dma source(%dma_start3A_316 : memref<1000x128xf32, #tpu.memory_space<hbm>>) target(%arg24 : memref<32x128xf32, #tpu.memory_space<vmem>>) offsets(%dma_start3A_313 : memref<32xi32, #tpu.memory_space<vmem>>) semaphore(%arg33 : memref<!tpu.dma_semaphore, #tpu.memory_space<semaphore_mem>>)
      %dma_start3A_317 = tpu.memref_slice %arg17[%mul3A_292] : memref<512xi32, #tpu.memory_space<vmem>> -> memref<32xi32, #tpu.memory_space<vmem>>
      %dma_start3A_318 = arith.constant 0 : i32
      %dma_start3A_319 = arith.constant 0 : i32
      %dma_start3A_320 = tpu.memref_slice %arg8[%dma_start3A_318, %dma_start3A_319] : memref<1000x128xf32, #tpu.memory_space<hbm>> -> memref<1000x128xf32, #tpu.memory_space<hbm>>
      tpu.enqueue_indirect_dma source(%dma_start3A_320 : memref<1000x128xf32, #tpu.memory_space<hbm>>) target(%arg25 : memref<32x128xf32, #tpu.memory_space<vmem>>) offsets(%dma_start3A_317 : memref<32xi32, #tpu.memory_space<vmem>>) semaphore(%arg33 : memref<!tpu.dma_semaphore, #tpu.memory_space<semaphore_mem>>)
      %scan3A_321 = arith.constant 0 : i32
      %scan3A_322 = arith.constant 0 : i32
      %scan3A_323 = arith.constant 32 : i32
      %scan3A_324 = arith.addi %scan3A_322, %scan3A_323 : i32
      %scan3A_325 = arith.constant 1 : i32
      scf.for %scan3A_351 = %scan3A_322 to %scan3A_324 step %scan3A_325  : i32 {
        %broadcast_in_dim3A = arith.constant 0.000000e+00 : f32
        %broadcast_in_dim3A_352 = vector.broadcast %broadcast_in_dim3A : f32 to vector<16xf32>
        %get3A = arith.index_cast %scan3A_351 : i32 to index
        %get3A_353 = arith.constant 0 : index
        %get3A_354 = tpu.vector_load %arg28[%get3A, %get3A_353] {strides = array<i32>} : memref<32x128xf32, #tpu.memory_space<vmem>>, vector<1x16xf32>,
        %get3A_355 = vector.shape_cast %get3A_354 : vector<1x16xf32> to vector<16xf32>
        %get3A_356 = arith.index_cast %scan3A_351 : i32 to index
        %get3A_357 = arith.constant 0 : index
        %get3A_358 = tpu.vector_load %arg30[%get3A_356, %get3A_357] {strides = array<i32>} : memref<32x128xf32, #tpu.memory_space<vmem>>, vector<1x16xf32>,
        %get3A_359 = vector.shape_cast %get3A_358 : vector<1x16xf32> to vector<16xf32>
        %mul3A_360 = arith.mulf %get3A_355, %get3A_359 : vector<16xf32>
        %get3A_361 = arith.index_cast %scan3A_351 : i32 to index
        %get3A_362 = arith.constant 0 : index
        %get3A_363 = tpu.vector_load %arg29[%get3A_361, %get3A_362] {strides = array<i32>} : memref<32x128xf32, #tpu.memory_space<vmem>>, vector<1x16xf32>,
        %get3A_364 = vector.shape_cast %get3A_363 : vector<1x16xf32> to vector<16xf32>
        %mul3A_365 = arith.mulf %mul3A_360, %get3A_364 : vector<16xf32>
        %add3A_366 = arith.addf %broadcast_in_dim3A_352, %mul3A_365 : vector<16xf32>
        %get3A_367 = arith.index_cast %scan3A_351 : i32 to index
        %get3A_368 = arith.constant 16 : index
        %get3A_369 = tpu.vector_load %arg28[%get3A_367, %get3A_368] {strides = array<i32>} : memref<32x128xf32, #tpu.memory_space<vmem>>, vector<1x16xf32>,
        %get3A_370 = vector.shape_cast %get3A_369 : vector<1x16xf32> to vector<16xf32>
        %get3A_371 = arith.index_cast %scan3A_351 : i32 to index
        %get3A_372 = arith.constant 16 : index
        %get3A_373 = tpu.vector_load %arg30[%get3A_371, %get3A_372] {strides = array<i32>} : memref<32x128xf32, #tpu.memory_space<vmem>>, vector<1x16xf32>,
        %get3A_374 = vector.shape_cast %get3A_373 : vector<1x16xf32> to vector<16xf32>
        %mul3A_375 = arith.mulf %get3A_370, %get3A_374 : vector<16xf32>
        %get3A_376 = arith.index_cast %scan3A_351 : i32 to index
        %get3A_377 = arith.constant 16 : index
        %get3A_378 = tpu.vector_load %arg29[%get3A_376, %get3A_377] {strides = array<i32>} : memref<32x128xf32, #tpu.memory_space<vmem>>, vector<1x16xf32>,
        %get3A_379 = vector.shape_cast %get3A_378 : vector<1x16xf32> to vector<16xf32>
        %mul3A_380 = arith.mulf %mul3A_375, %get3A_379 : vector<16xf32>
        %add3A_381 = arith.addf %add3A_366, %mul3A_380 : vector<16xf32>
        %get3A_382 = arith.index_cast %scan3A_351 : i32 to index
        %get3A_383 = arith.constant 32 : index
        %get3A_384 = tpu.vector_load %arg28[%get3A_382, %get3A_383] {strides = array<i32>} : memref<32x128xf32, #tpu.memory_space<vmem>>, vector<1x16xf32>,
        %get3A_385 = vector.shape_cast %get3A_384 : vector<1x16xf32> to vector<16xf32>
        %get3A_386 = arith.index_cast %scan3A_351 : i32 to index
        %get3A_387 = arith.constant 32 : index
        %get3A_388 = tpu.vector_load %arg30[%get3A_386, %get3A_387] {strides = array<i32>} : memref<32x128xf32, #tpu.memory_space<vmem>>, vector<1x16xf32>,
        %get3A_389 = vector.shape_cast %get3A_388 : vector<1x16xf32> to vector<16xf32>
        %mul3A_390 = arith.mulf %get3A_385, %get3A_389 : vector<16xf32>
        %get3A_391 = arith.index_cast %scan3A_351 : i32 to index
        %get3A_392 = arith.constant 32 : index
        %get3A_393 = tpu.vector_load %arg29[%get3A_391, %get3A_392] {strides = array<i32>} : memref<32x128xf32, #tpu.memory_space<vmem>>, vector<1x16xf32>,
        %get3A_394 = vector.shape_cast %get3A_393 : vector<1x16xf32> to vector<16xf32>
        %mul3A_395 = arith.mulf %mul3A_390, %get3A_394 : vector<16xf32>
        %add3A_396 = arith.addf %add3A_381, %mul3A_395 : vector<16xf32>
        %get3A_397 = arith.index_cast %scan3A_351 : i32 to index
        %get3A_398 = arith.constant 48 : index
        %get3A_399 = tpu.vector_load %arg28[%get3A_397, %get3A_398] {strides = array<i32>} : memref<32x128xf32, #tpu.memory_space<vmem>>, vector<1x16xf32>,
        %get3A_400 = vector.shape_cast %get3A_399 : vector<1x16xf32> to vector<16xf32>
        %get3A_401 = arith.index_cast %scan3A_351 : i32 to index
        %get3A_402 = arith.constant 48 : index
        %get3A_403 = tpu.vector_load %arg30[%get3A_401, %get3A_402] {strides = array<i32>} : memref<32x128xf32, #tpu.memory_space<vmem>>, vector<1x16xf32>,
        %get3A_404 = vector.shape_cast %get3A_403 : vector<1x16xf32> to vector<16xf32>
        %mul3A_405 = arith.mulf %get3A_400, %get3A_404 : vector<16xf32>
        %get3A_406 = arith.index_cast %scan3A_351 : i32 to index
        %get3A_407 = arith.constant 48 : index
        %get3A_408 = tpu.vector_load %arg29[%get3A_406, %get3A_407] {strides = array<i32>} : memref<32x128xf32, #tpu.memory_space<vmem>>, vector<1x16xf32>,
        %get3A_409 = vector.shape_cast %get3A_408 : vector<1x16xf32> to vector<16xf32>
        %mul3A_410 = arith.mulf %mul3A_405, %get3A_409 : vector<16xf32>
        %add3A_411 = arith.addf %add3A_396, %mul3A_410 : vector<16xf32>
        %get3A_412 = arith.index_cast %scan3A_351 : i32 to index
        %get3A_413 = arith.constant 64 : index
        %get3A_414 = tpu.vector_load %arg28[%get3A_412, %get3A_413] {strides = array<i32>} : memref<32x128xf32, #tpu.memory_space<vmem>>, vector<1x16xf32>,
        %get3A_415 = vector.shape_cast %get3A_414 : vector<1x16xf32> to vector<16xf32>
        %get3A_416 = arith.index_cast %scan3A_351 : i32 to index
        %get3A_417 = arith.constant 64 : index
        %get3A_418 = tpu.vector_load %arg30[%get3A_416, %get3A_417] {strides = array<i32>} : memref<32x128xf32, #tpu.memory_space<vmem>>, vector<1x16xf32>,
        %get3A_419 = vector.shape_cast %get3A_418 : vector<1x16xf32> to vector<16xf32>
        %mul3A_420 = arith.mulf %get3A_415, %get3A_419 : vector<16xf32>
        %get3A_421 = arith.index_cast %scan3A_351 : i32 to index
        %get3A_422 = arith.constant 64 : index
        %get3A_423 = tpu.vector_load %arg29[%get3A_421, %get3A_422] {strides = array<i32>} : memref<32x128xf32, #tpu.memory_space<vmem>>, vector<1x16xf32>,
        %get3A_424 = vector.shape_cast %get3A_423 : vector<1x16xf32> to vector<16xf32>
        %mul3A_425 = arith.mulf %mul3A_420, %get3A_424 : vector<16xf32>
        %add3A_426 = arith.addf %add3A_411, %mul3A_425 : vector<16xf32>
        %get3A_427 = arith.index_cast %scan3A_351 : i32 to index
        %get3A_428 = arith.constant 80 : index
        %get3A_429 = tpu.vector_load %arg28[%get3A_427, %get3A_428] {strides = array<i32>} : memref<32x128xf32, #tpu.memory_space<vmem>>, vector<1x16xf32>,
        %get3A_430 = vector.shape_cast %get3A_429 : vector<1x16xf32> to vector<16xf32>
        %get3A_431 = arith.index_cast %scan3A_351 : i32 to index
        %get3A_432 = arith.constant 80 : index
        %get3A_433 = tpu.vector_load %arg30[%get3A_431, %get3A_432] {strides = array<i32>} : memref<32x128xf32, #tpu.memory_space<vmem>>, vector<1x16xf32>,
        %get3A_434 = vector.shape_cast %get3A_433 : vector<1x16xf32> to vector<16xf32>
        %mul3A_435 = arith.mulf %get3A_430, %get3A_434 : vector<16xf32>
        %get3A_436 = arith.index_cast %scan3A_351 : i32 to index
        %get3A_437 = arith.constant 80 : index
        %get3A_438 = tpu.vector_load %arg29[%get3A_436, %get3A_437] {strides = array<i32>} : memref<32x128xf32, #tpu.memory_space<vmem>>, vector<1x16xf32>,
        %get3A_439 = vector.shape_cast %get3A_438 : vector<1x16xf32> to vector<16xf32>
        %mul3A_440 = arith.mulf %mul3A_435, %get3A_439 : vector<16xf32>
        %add3A_441 = arith.addf %add3A_426, %mul3A_440 : vector<16xf32>
        %get3A_442 = arith.index_cast %scan3A_351 : i32 to index
        %get3A_443 = arith.constant 96 : index
        %get3A_444 = tpu.vector_load %arg28[%get3A_442, %get3A_443] {strides = array<i32>} : memref<32x128xf32, #tpu.memory_space<vmem>>, vector<1x16xf32>,
        %get3A_445 = vector.shape_cast %get3A_444 : vector<1x16xf32> to vector<16xf32>
        %get3A_446 = arith.index_cast %scan3A_351 : i32 to index
        %get3A_447 = arith.constant 96 : index
        %get3A_448 = tpu.vector_load %arg30[%get3A_446, %get3A_447] {strides = array<i32>} : memref<32x128xf32, #tpu.memory_space<vmem>>, vector<1x16xf32>,
        %get3A_449 = vector.shape_cast %get3A_448 : vector<1x16xf32> to vector<16xf32>
        %mul3A_450 = arith.mulf %get3A_445, %get3A_449 : vector<16xf32>
        %get3A_451 = arith.index_cast %scan3A_351 : i32 to index
        %get3A_452 = arith.constant 96 : index
        %get3A_453 = tpu.vector_load %arg29[%get3A_451, %get3A_452] {strides = array<i32>} : memref<32x128xf32, #tpu.memory_space<vmem>>, vector<1x16xf32>,
        %get3A_454 = vector.shape_cast %get3A_453 : vector<1x16xf32> to vector<16xf32>
        %mul3A_455 = arith.mulf %mul3A_450, %get3A_454 : vector<16xf32>
        %add3A_456 = arith.addf %add3A_441, %mul3A_455 : vector<16xf32>
        %get3A_457 = arith.index_cast %scan3A_351 : i32 to index
        %get3A_458 = arith.constant 112 : index
        %get3A_459 = tpu.vector_load %arg28[%get3A_457, %get3A_458] {strides = array<i32>} : memref<32x128xf32, #tpu.memory_space<vmem>>, vector<1x16xf32>,
        %get3A_460 = vector.shape_cast %get3A_459 : vector<1x16xf32> to vector<16xf32>
        %get3A_461 = arith.index_cast %scan3A_351 : i32 to index
        %get3A_462 = arith.constant 112 : index
        %get3A_463 = tpu.vector_load %arg30[%get3A_461, %get3A_462] {strides = array<i32>} : memref<32x128xf32, #tpu.memory_space<vmem>>, vector<1x16xf32>,
        %get3A_464 = vector.shape_cast %get3A_463 : vector<1x16xf32> to vector<16xf32>
        %mul3A_465 = arith.mulf %get3A_460, %get3A_464 : vector<16xf32>
        %get3A_466 = arith.index_cast %scan3A_351 : i32 to index
        %get3A_467 = arith.constant 112 : index
        %get3A_468 = tpu.vector_load %arg29[%get3A_466, %get3A_467] {strides = array<i32>} : memref<32x128xf32, #tpu.memory_space<vmem>>, vector<1x16xf32>,
        %get3A_469 = vector.shape_cast %get3A_468 : vector<1x16xf32> to vector<16xf32>
        %mul3A_470 = arith.mulf %mul3A_465, %get3A_469 : vector<16xf32>
        %add3A_471 = arith.addf %add3A_456, %mul3A_470 : vector<16xf32>
        %mul3A_472 = arith.constant 32 : i32
        %mul3A_473 = arith.muli %add3A_105, %mul3A_472 : i32
        %add3A_474 = arith.addi %mul3A_473, %scan3A_351 : i32
        %jit3A_475 = arith.constant 8 : i32
        %div3A_476 = arith.divsi %add3A_474, %jit3A_475 : i32
        %sign3A_477 = arith.constant 0 : i32
        %sign3A_478 = arith.cmpi sgt, %add3A_474, %sign3A_477 : i32
        %sign3A_479 = arith.extui %sign3A_478 : i1 to i32
        %sign3A_480 = arith.constant 0 : i32
        %sign3A_481 = arith.cmpi slt, %add3A_474, %sign3A_480 : i32
        %sign3A_482 = arith.extui %sign3A_481 : i1 to i32
        %sign3A_483 = arith.subi %sign3A_479, %sign3A_482 : i32
        %sign3A_484 = arith.constant 0 : i32
        %sign3A_485 = arith.cmpi sgt, %jit3A_475, %sign3A_484 : i32
        %sign3A_486 = arith.extui %sign3A_485 : i1 to i32
        %sign3A_487 = arith.constant 0 : i32
        %sign3A_488 = arith.cmpi slt, %jit3A_475, %sign3A_487 : i32
        %sign3A_489 = arith.extui %sign3A_488 : i1 to i32
        %sign3A_490 = arith.subi %sign3A_486, %sign3A_489 : i32
        %ne3A_491 = arith.cmpi ne, %sign3A_483, %sign3A_490 : i32
        %rem3A_492 = arith.remsi %add3A_474, %jit3A_475 : i32
        %ne3A_493 = arith.constant 0 : i32
        %ne3A_494 = arith.cmpi ne, %rem3A_492, %ne3A_493 : i32
        %and3A_495 = arith.andi %ne3A_491, %ne3A_494 : i1
        %sub3A_496 = arith.constant 1 : i32
        %sub3A_497 = arith.subi %div3A_476, %sub3A_496 : i32
        %select_n3A_498 = arith.select %and3A_495, %sub3A_497, %div3A_476 : i32
        %jit3A_499 = arith.constant 8 : i32
        %eq3A = arith.constant 0 : i32
        %eq3A_500 = arith.cmpi eq, %jit3A_499, %eq3A : i32
        %jit3A_501 = arith.constant 1 : i32
        %select_n3A_502 = arith.select %eq3A_500, %jit3A_501, %jit3A_499 : i32
        %rem3A_503 = arith.remsi %add3A_474, %select_n3A_502 : i32
        %ne3A_504 = arith.constant 0 : i32
        %ne3A_505 = arith.cmpi ne, %rem3A_503, %ne3A_504 : i32
        %lt3A = arith.constant 0 : i32
        %lt3A_506 = arith.cmpi slt, %rem3A_503, %lt3A : i32
        %lt3A_507 = arith.constant 0 : i32
        %lt3A_508 = arith.cmpi slt, %select_n3A_502, %lt3A_507 : i32
        %ne3A_509 = arith.xori %lt3A_506, %lt3A_508 : i1
        %and3A_510 = arith.andi %ne3A_509, %ne3A_505 : i1
        %add3A_511 = arith.addi %rem3A_503, %select_n3A_502 : i32
        %select_n3A_512 = arith.select %and3A_510, %add3A_511, %rem3A_503 : i32
        %mul3A_513 = arith.constant 16 : i32
        %mul3A_514 = arith.muli %select_n3A_512, %mul3A_513 : i32
        %swap3A = arith.index_cast %select_n3A_498 : i32 to index
        %swap3A_515 = arith.index_cast %mul3A_514 : i32 to index
        %swap3A_516 = tpu.vector_load %arg18[%swap3A, %swap3A_515] {strides = array<i32>} : memref<64x128xf32, #tpu.memory_space<vmem>>, vector<1x16xf32>,
        %swap3A_517 = vector.shape_cast %swap3A_516 : vector<1x16xf32> to vector<16xf32>
        %swap3A_518 = vector.shape_cast %add3A_471 : vector<16xf32> to vector<1x16xf32>
        tpu.vector_store %arg18[%swap3A, %swap3A_515], %swap3A_518 {strides = array<i32>} : memref<64x128xf32, #tpu.memory_space<vmem>>, vector<1x16xf32>,
      }
      %scan3A_326 = arith.constant 32 : i32
      %dma_wait3A_327 = arith.constant 0 : i32
      %dma_wait3A_328 = arith.constant 0 : i32
      %dma_wait3A_329 = tpu.memref_slice %arg10[%dma_wait3A_327, %dma_wait3A_328] : memref<16384x512xf32, #tpu.memory_space<hbm>> -> memref<32x512xf32, #tpu.memory_space<hbm>>
      %dma_wait3A_330 = arith.constant 0 : i32
      %dma_wait3A_331 = arith.constant 0 : i32
      %dma_wait3A_332 = tpu.memref_slice %arg10[%dma_wait3A_330, %dma_wait3A_331] : memref<16384x512xf32, #tpu.memory_space<hbm>> -> memref<32x512xf32, #tpu.memory_space<hbm>>
      tpu.wait_dma2 semaphore(%arg36 : memref<!tpu.dma_semaphore, #tpu.memory_space<semaphore_mem>>) src(%arg26 : memref<32x512xf32, #tpu.memory_space<vmem>>) dst(%dma_wait3A_332 : memref<32x512xf32, #tpu.memory_space<hbm>>)
      %dma_wait3A_333 = arith.constant 0 : i32
      %dma_wait3A_334 = arith.constant 0 : i32
      %dma_wait3A_335 = tpu.memref_slice %arg11[%dma_wait3A_333, %dma_wait3A_334] : memref<16384x512xf32, #tpu.memory_space<hbm>> -> memref<32x512xf32, #tpu.memory_space<hbm>>
      %dma_wait3A_336 = arith.constant 0 : i32
      %dma_wait3A_337 = arith.constant 0 : i32
      %dma_wait3A_338 = tpu.memref_slice %arg11[%dma_wait3A_336, %dma_wait3A_337] : memref<16384x512xf32, #tpu.memory_space<hbm>> -> memref<32x512xf32, #tpu.memory_space<hbm>>
      tpu.wait_dma2 semaphore(%arg36 : memref<!tpu.dma_semaphore, #tpu.memory_space<semaphore_mem>>) src(%arg27 : memref<32x512xf32, #tpu.memory_space<vmem>>) dst(%dma_wait3A_338 : memref<32x512xf32, #tpu.memory_space<hbm>>)
      %dma_wait3A_339 = arith.constant 0 : i32
      %dma_wait3A_340 = arith.constant 0 : i32
      %dma_wait3A_341 = tpu.memref_slice %arg12[%dma_wait3A_339, %dma_wait3A_340] : memref<16384x128xf32, #tpu.memory_space<hbm>> -> memref<32x128xf32, #tpu.memory_space<hbm>>
      %dma_wait3A_342 = arith.constant 0 : i32
      %dma_wait3A_343 = arith.constant 0 : i32
      %dma_wait3A_344 = tpu.memref_slice %arg12[%dma_wait3A_342, %dma_wait3A_343] : memref<16384x128xf32, #tpu.memory_space<hbm>> -> memref<32x128xf32, #tpu.memory_space<hbm>>
      tpu.wait_dma2 semaphore(%arg36 : memref<!tpu.dma_semaphore, #tpu.memory_space<semaphore_mem>>) src(%arg31 : memref<32x128xf32, #tpu.memory_space<vmem>>) dst(%dma_wait3A_344 : memref<32x128xf32, #tpu.memory_space<hbm>>)
      %dma_wait3A_345 = arith.constant 0 : i32
      %dma_wait3A_346 = arith.constant 0 : i32
      %dma_wait3A_347 = tpu.memref_slice %arg13[%dma_wait3A_345, %dma_wait3A_346] : memref<16384x128xf32, #tpu.memory_space<hbm>> -> memref<32x128xf32, #tpu.memory_space<hbm>>
      %dma_wait3A_348 = arith.constant 0 : i32
      %dma_wait3A_349 = arith.constant 0 : i32
      %dma_wait3A_350 = tpu.memref_slice %arg13[%dma_wait3A_348, %dma_wait3A_349] : memref<16384x128xf32, #tpu.memory_space<hbm>> -> memref<32x128xf32, #tpu.memory_space<hbm>>
      tpu.wait_dma2 semaphore(%arg36 : memref<!tpu.dma_semaphore, #tpu.memory_space<semaphore_mem>>) src(%arg32 : memref<32x128xf32, #tpu.memory_space<vmem>>) dst(%dma_wait3A_350 : memref<32x128xf32, #tpu.memory_space<hbm>>)
    }
    %scan3A_41 = arith.constant 8 : i32
    %dma_wait3A = arith.constant 0 : i32
    %dma_wait3A_42 = arith.constant 0 : i32
    %dma_wait3A_43 = tpu.memref_slice %arg9[%dma_wait3A, %dma_wait3A_42] : memref<100000x512xf32, #tpu.memory_space<hbm>> -> memref<32x512xf32, #tpu.memory_space<hbm>>
    %dma_wait3A_44 = arith.constant 0 : i32
    %dma_wait3A_45 = arith.constant 0 : i32
    %dma_wait3A_46 = tpu.memref_slice %arg9[%dma_wait3A_44, %dma_wait3A_45] : memref<100000x512xf32, #tpu.memory_space<hbm>> -> memref<32x512xf32, #tpu.memory_space<hbm>>
    tpu.wait_dma2 semaphore(%arg33 : memref<!tpu.dma_semaphore, #tpu.memory_space<semaphore_mem>>) src(%dma_wait3A_46 : memref<32x512xf32, #tpu.memory_space<hbm>>) dst(%arg19 : memref<32x512xf32, #tpu.memory_space<vmem>>)
    %dma_wait3A_47 = arith.constant 0 : i32
    %dma_wait3A_48 = arith.constant 0 : i32
    %dma_wait3A_49 = tpu.memref_slice %arg9[%dma_wait3A_47, %dma_wait3A_48] : memref<100000x512xf32, #tpu.memory_space<hbm>> -> memref<32x512xf32, #tpu.memory_space<hbm>>
    %dma_wait3A_50 = arith.constant 0 : i32
    %dma_wait3A_51 = arith.constant 0 : i32
    %dma_wait3A_52 = tpu.memref_slice %arg9[%dma_wait3A_50, %dma_wait3A_51] : memref<100000x512xf32, #tpu.memory_space<hbm>> -> memref<32x512xf32, #tpu.memory_space<hbm>>
    tpu.wait_dma2 semaphore(%arg33 : memref<!tpu.dma_semaphore, #tpu.memory_space<semaphore_mem>>) src(%dma_wait3A_52 : memref<32x512xf32, #tpu.memory_space<hbm>>) dst(%arg20 : memref<32x512xf32, #tpu.memory_space<vmem>>)
    %dma_wait3A_53 = arith.constant 0 : i32
    %dma_wait3A_54 = arith.constant 0 : i32
    %dma_wait3A_55 = tpu.memref_slice %arg5[%dma_wait3A_53, %dma_wait3A_54] : memref<100000x128xf32, #tpu.memory_space<hbm>> -> memref<32x128xf32, #tpu.memory_space<hbm>>
    %dma_wait3A_56 = arith.constant 0 : i32
    %dma_wait3A_57 = arith.constant 0 : i32
    %dma_wait3A_58 = tpu.memref_slice %arg5[%dma_wait3A_56, %dma_wait3A_57] : memref<100000x128xf32, #tpu.memory_space<hbm>> -> memref<32x128xf32, #tpu.memory_space<hbm>>
    tpu.wait_dma2 semaphore(%arg33 : memref<!tpu.dma_semaphore, #tpu.memory_space<semaphore_mem>>) src(%dma_wait3A_58 : memref<32x128xf32, #tpu.memory_space<hbm>>) dst(%arg21 : memref<32x128xf32, #tpu.memory_space<vmem>>)
    %dma_wait3A_59 = arith.constant 0 : i32
    %dma_wait3A_60 = arith.constant 0 : i32
    %dma_wait3A_61 = tpu.memref_slice %arg5[%dma_wait3A_59, %dma_wait3A_60] : memref<100000x128xf32, #tpu.memory_space<hbm>> -> memref<32x128xf32, #tpu.memory_space<hbm>>
    %dma_wait3A_62 = arith.constant 0 : i32
    %dma_wait3A_63 = arith.constant 0 : i32
    %dma_wait3A_64 = tpu.memref_slice %arg5[%dma_wait3A_62, %dma_wait3A_63] : memref<100000x128xf32, #tpu.memory_space<hbm>> -> memref<32x128xf32, #tpu.memory_space<hbm>>
    tpu.wait_dma2 semaphore(%arg33 : memref<!tpu.dma_semaphore, #tpu.memory_space<semaphore_mem>>) src(%dma_wait3A_64 : memref<32x128xf32, #tpu.memory_space<hbm>>) dst(%arg22 : memref<32x128xf32, #tpu.memory_space<vmem>>)
    %dma_wait3A_65 = arith.constant 0 : i32
    %dma_wait3A_66 = arith.constant 0 : i32
    %dma_wait3A_67 = tpu.memref_slice %arg6[%dma_wait3A_65, %dma_wait3A_66] : memref<1000x128xf32, #tpu.memory_space<hbm>> -> memref<32x128xf32, #tpu.memory_space<hbm>>
    %dma_wait3A_68 = arith.constant 0 : i32
    %dma_wait3A_69 = arith.constant 0 : i32
    %dma_wait3A_70 = tpu.memref_slice %arg6[%dma_wait3A_68, %dma_wait3A_69] : memref<1000x128xf32, #tpu.memory_space<hbm>> -> memref<32x128xf32, #tpu.memory_space<hbm>>
    tpu.wait_dma2 semaphore(%arg33 : memref<!tpu.dma_semaphore, #tpu.memory_space<semaphore_mem>>) src(%dma_wait3A_70 : memref<32x128xf32, #tpu.memory_space<hbm>>) dst(%arg23 : memref<32x128xf32, #tpu.memory_space<vmem>>)
    %dma_wait3A_71 = arith.constant 0 : i32
    %dma_wait3A_72 = arith.constant 0 : i32
    %dma_wait3A_73 = tpu.memref_slice %arg7[%dma_wait3A_71, %dma_wait3A_72] : memref<1000x128xf32, #tpu.memory_space<hbm>> -> memref<32x128xf32, #tpu.memory_space<hbm>>
    %dma_wait3A_74 = arith.constant 0 : i32
    %dma_wait3A_75 = arith.constant 0 : i32
    %dma_wait3A_76 = tpu.memref_slice %arg7[%dma_wait3A_74, %dma_wait3A_75] : memref<1000x128xf32, #tpu.memory_space<hbm>> -> memref<32x128xf32, #tpu.memory_space<hbm>>
    tpu.wait_dma2 semaphore(%arg33 : memref<!tpu.dma_semaphore, #tpu.memory_space<semaphore_mem>>) src(%dma_wait3A_76 : memref<32x128xf32, #tpu.memory_space<hbm>>) dst(%arg24 : memref<32x128xf32, #tpu.memory_space<vmem>>)
    %dma_wait3A_77 = arith.constant 0 : i32
    %dma_wait3A_78 = arith.constant 0 : i32
    %dma_wait3A_79 = tpu.memref_slice %arg8[%dma_wait3A_77, %dma_wait3A_78] : memref<1000x128xf32, #tpu.memory_space<hbm>> -> memref<32x128xf32, #tpu.memory_space<hbm>>
    %dma_wait3A_80 = arith.constant 0 : i32
    %dma_wait3A_81 = arith.constant 0 : i32
    %dma_wait3A_82 = tpu.memref_slice %arg8[%dma_wait3A_80, %dma_wait3A_81] : memref<1000x128xf32, #tpu.memory_space<hbm>> -> memref<32x128xf32, #tpu.memory_space<hbm>>
    tpu.wait_dma2 semaphore(%arg33 : memref<!tpu.dma_semaphore, #tpu.memory_space<semaphore_mem>>) src(%dma_wait3A_82 : memref<32x128xf32, #tpu.memory_space<hbm>>) dst(%arg25 : memref<32x128xf32, #tpu.memory_space<vmem>>)
    %jit3A = arith.constant 8 : i32
    %div3A = arith.divsi %mul3A_2, %jit3A : i32
    %sign3A = arith.constant 0 : i32
    %sign3A_83 = arith.cmpi sgt, %mul3A_2, %sign3A : i32
    %sign3A_84 = arith.extui %sign3A_83 : i1 to i32
    %sign3A_85 = arith.constant 0 : i32
    %sign3A_86 = arith.cmpi slt, %mul3A_2, %sign3A_85 : i32
    %sign3A_87 = arith.extui %sign3A_86 : i1 to i32
    %sign3A_88 = arith.subi %sign3A_84, %sign3A_87 : i32
    %sign3A_89 = arith.constant 0 : i32
    %sign3A_90 = arith.cmpi sgt, %jit3A, %sign3A_89 : i32
    %sign3A_91 = arith.extui %sign3A_90 : i1 to i32
    %sign3A_92 = arith.constant 0 : i32
    %sign3A_93 = arith.cmpi slt, %jit3A, %sign3A_92 : i32
    %sign3A_94 = arith.extui %sign3A_93 : i1 to i32
    %sign3A_95 = arith.subi %sign3A_91, %sign3A_94 : i32
    %ne3A = arith.cmpi ne, %sign3A_88, %sign3A_95 : i32
    %rem3A = arith.remsi %mul3A_2, %jit3A : i32
    %ne3A_96 = arith.constant 0 : i32
    %ne3A_97 = arith.cmpi ne, %rem3A, %ne3A_96 : i32
    %and3A = arith.andi %ne3A, %ne3A_97 : i1
    %sub3A = arith.constant 1 : i32
    %sub3A_98 = arith.subi %div3A, %sub3A : i32
    %select_n3A = arith.select %and3A, %sub3A_98, %div3A : i32
    %multiple_of3A = tpu.assume_multiple %select_n3A, 8 : i32
    "tpu.region"() ({
      %run_scoped3A = tpu.sem_alloc : memref<!tpu.dma_semaphore, #tpu.memory_space<semaphore_mem>>
      %dma_start3A_99 = arith.constant 0 : i32
      %dma_start3A_100 = tpu.memref_slice %arg14[%multiple_of3A, %dma_start3A_99] : memref<2048x128xf32, #tpu.memory_space<hbm>> -> memref<64x128xf32, #tpu.memory_space<hbm>>
      %dma_start3A_101 = arith.constant 0 : i32
      %dma_start3A_102 = tpu.memref_slice %arg14[%multiple_of3A, %dma_start3A_101] : memref<2048x128xf32, #tpu.memory_space<hbm>> -> memref<64x128xf32, #tpu.memory_space<hbm>>
      tpu.enqueue_dma source(%arg18 : memref<64x128xf32, #tpu.memory_space<vmem>>) target(%dma_start3A_102 : memref<64x128xf32, #tpu.memory_space<hbm>>) target_semaphore(%run_scoped3A : memref<!tpu.dma_semaphore, #tpu.memory_space<semaphore_mem>>)
      %dma_wait3A_103 = arith.constant 0 : i32
      %dma_wait3A_104 = tpu.memref_slice %arg14[%multiple_of3A, %dma_wait3A_103] : memref<2048x128xf32, #tpu.memory_space<hbm>> -> memref<64x128xf32, #tpu.memory_space<hbm>>
      %dma_wait3A_105 = arith.constant 0 : i32
      %dma_wait3A_106 = tpu.memref_slice %arg14[%multiple_of3A, %dma_wait3A_105] : memref<2048x128xf32, #tpu.memory_space<hbm>> -> memref<64x128xf32, #tpu.memory_space<hbm>>
      tpu.wait_dma2 semaphore(%run_scoped3A : memref<!tpu.dma_semaphore, #tpu.memory_space<semaphore_mem>>) src(%arg18 : memref<64x128xf32, #tpu.memory_space<vmem>>) dst(%dma_wait3A_106 : memref<64x128xf32, #tpu.memory_space<hbm>>)
      tpu.yield
    }) : () -> ()
    return
  }
}

module attributes {stable_mosaic.version = 14 : i64} {
  func.func @_mm_body(%arg0: i32, %arg1: memref<2048x512xf32, #tpu.memory_space<vmem>>, %arg2: memref<2048x512xf32, #tpu.memory_space<vmem>>, %arg3: memref<512x128xf32, #tpu.memory_space<vmem>>, %arg4: memref<1x128xf32, #tpu.memory_space<vmem>>, %arg5: memref<2048x128xf32, #tpu.memory_space<vmem>>, %arg6: memref<2048x128xf32, #tpu.memory_space<vmem>>, %arg7: memref<4x128xf32, #tpu.memory_space<vmem>>, %arg8: memref<4x128xf32, #tpu.memory_space<vmem>>) attributes {dimension_semantics = [#tpu.dimension_semantics<arbitrary>], iteration_bounds = array<i64: 8>, scalar_prefetch = 0 : i64, scratch_operands = 1 : i64, tpu.core_type = #tpu.core_type<tc>, window_params = [{transform_indices = @transform_0, window_bounds = array<i64: 2048, 512>}, {transform_indices = @transform_1, window_bounds = array<i64: 2048, 512>}, {pipeline_mode = #tpu.pipeline_mode<synchronous>, transform_indices = @transform_2, window_bounds = array<i64: 512, 128>}, {pipeline_mode = #tpu.pipeline_mode<synchronous>, transform_indices = @transform_3, window_bounds = array<i64: 1, 128>}, {transform_indices = @transform_4, window_bounds = array<i64: 2048, 128>}, {transform_indices = @transform_5, window_bounds = array<i64: 2048, 128>}, {pipeline_mode = #tpu.pipeline_mode<synchronous>, transform_indices = @transform_6, window_bounds = array<i64: 4, 128>}]} {
    %get3A = arith.constant 0 : index
    %get3A_0 = arith.constant 0 : index
    %get3A_1 = vector.load %arg3[%get3A, %get3A_0] : memref<512x128xf32, #tpu.memory_space<vmem>>, vector<512x128xf32>
    %convert_element_type3A = arith.truncf %get3A_1 : vector<512x128xf32> to vector<512x128xbf16>
    %get3A_2 = arith.constant 0 : index
    %get3A_3 = arith.constant 0 : index
    %get3A_4 = vector.load %arg1[%get3A_2, %get3A_3] : memref<2048x512xf32, #tpu.memory_space<vmem>>, vector<2048x512xf32>
    %convert_element_type3A_5 = arith.truncf %get3A_4 : vector<2048x512xf32> to vector<2048x512xbf16>
    %dot_general3A = arith.constant dense<0.000000e+00> : vector<2048x128xf32>
    %dot_general3A_6 = tpu.matmul %convert_element_type3A_5, %convert_element_type3A, %dot_general3A {dimension_numbers = #tpu.dot_dimension_numbers<[1], [0], [0], [1], [0, 0, 1, 1], [], []>, transpose_lhs_hint = false} : vector<2048x512xbf16>, vector<512x128xbf16>, vector<2048x128xf32> -> vector<2048x128xf32>
    %get3A_7 = arith.constant 0 : index
    %get3A_8 = arith.constant 0 : index
    %get3A_9 = vector.load %arg4[%get3A_7, %get3A_8] : memref<1x128xf32, #tpu.memory_space<vmem>>, vector<1x128xf32>
    %add3A = vector.broadcast %get3A_9 : vector<1x128xf32> to vector<2048x128xf32>
    %add3A_10 = arith.addf %dot_general3A_6, %add3A : vector<2048x128xf32>
    %get3A_11 = arith.constant 0 : index
    %get3A_12 = arith.constant 0 : index
    %get3A_13 = vector.load %arg2[%get3A_11, %get3A_12] : memref<2048x512xf32, #tpu.memory_space<vmem>>, vector<2048x512xf32>
    %convert_element_type3A_14 = arith.truncf %get3A_13 : vector<2048x512xf32> to vector<2048x512xbf16>
    %dot_general3A_15 = arith.constant dense<0.000000e+00> : vector<2048x128xf32>
    %dot_general3A_16 = tpu.matmul %convert_element_type3A_14, %convert_element_type3A, %dot_general3A_15 {dimension_numbers = #tpu.dot_dimension_numbers<[1], [0], [0], [1], [0, 0, 1, 1], [], []>, transpose_lhs_hint = false} : vector<2048x512xbf16>, vector<512x128xbf16>, vector<2048x128xf32> -> vector<2048x128xf32>
    %get3A_17 = arith.constant 0 : index
    %get3A_18 = arith.constant 0 : index
    %get3A_19 = vector.load %arg4[%get3A_17, %get3A_18] : memref<1x128xf32, #tpu.memory_space<vmem>>, vector<1x128xf32>
    %add3A_20 = vector.broadcast %get3A_19 : vector<1x128xf32> to vector<2048x128xf32>
    %add3A_21 = arith.addf %dot_general3A_16, %add3A_20 : vector<2048x128xf32>
    %swap3A = arith.constant 0 : index
    %swap3A_22 = arith.constant 0 : index
    %swap3A_23 = vector.load %arg5[%swap3A, %swap3A_22] : memref<2048x128xf32, #tpu.memory_space<vmem>>, vector<2048x128xf32>
    tpu.vector_store %arg5[%swap3A, %swap3A_22], %add3A_10 {strides = array<i32>} : memref<2048x128xf32, #tpu.memory_space<vmem>>, vector<2048x128xf32>,
    %swap3A_24 = arith.constant 0 : index
    %swap3A_25 = arith.constant 0 : index
    %swap3A_26 = vector.load %arg6[%swap3A_24, %swap3A_25] : memref<2048x128xf32, #tpu.memory_space<vmem>>, vector<2048x128xf32>
    tpu.vector_store %arg6[%swap3A_24, %swap3A_25], %add3A_21 {strides = array<i32>} : memref<2048x128xf32, #tpu.memory_space<vmem>>, vector<2048x128xf32>,
    %reduce_sum3A = arith.constant dense<0.000000e+00> : vector<128xf32>
    %reduce_sum3A_27 = vector.multi_reduction <add>, %add3A_10, %reduce_sum3A [0] : vector<2048x128xf32> to vector<128xf32>
    %broadcast_in_dim3A = vector.shape_cast %reduce_sum3A_27 : vector<128xf32> to vector<1x128xf32>
    %mul3A = arith.mulf %add3A_10, %add3A_10 : vector<2048x128xf32>
    %reduce_sum3A_28 = arith.constant dense<0.000000e+00> : vector<128xf32>
    %reduce_sum3A_29 = vector.multi_reduction <add>, %mul3A, %reduce_sum3A_28 [0] : vector<2048x128xf32> to vector<128xf32>
    %broadcast_in_dim3A_30 = vector.shape_cast %reduce_sum3A_29 : vector<128xf32> to vector<1x128xf32>
    %reduce_sum3A_31 = arith.constant dense<0.000000e+00> : vector<128xf32>
    %reduce_sum3A_32 = vector.multi_reduction <add>, %add3A_21, %reduce_sum3A_31 [0] : vector<2048x128xf32> to vector<128xf32>
    %broadcast_in_dim3A_33 = vector.shape_cast %reduce_sum3A_32 : vector<128xf32> to vector<1x128xf32>
    %mul3A_34 = arith.mulf %add3A_21, %add3A_21 : vector<2048x128xf32>
    %reduce_sum3A_35 = arith.constant dense<0.000000e+00> : vector<128xf32>
    %reduce_sum3A_36 = vector.multi_reduction <add>, %mul3A_34, %reduce_sum3A_35 [0] : vector<2048x128xf32> to vector<128xf32>
    %broadcast_in_dim3A_37 = vector.shape_cast %reduce_sum3A_36 : vector<128xf32> to vector<1x128xf32>
    %concatenate3A = tpu.concatenate %broadcast_in_dim3A, %broadcast_in_dim3A_30, %broadcast_in_dim3A_33, %broadcast_in_dim3A_37 in 0 : vector<1x128xf32>, vector<1x128xf32>, vector<1x128xf32>, vector<1x128xf32> -> vector<4x128xf32>
    %eq3A = arith.constant 0 : i32
    %eq3A_38 = arith.cmpi eq, %arg0, %eq3A : i32
    %convert_element_type3A_39 = arith.extui %eq3A_38 : i1 to i32
    %cond3A = arith.constant 0 : i32
    %cond3A_40 = arith.cmpi ne, %convert_element_type3A_39, %cond3A : i32
    scf.if %cond3A_40 {
      %swap3A_50 = arith.constant 0 : index
      %swap3A_51 = arith.constant 0 : index
      %swap3A_52 = vector.load %arg8[%swap3A_50, %swap3A_51] : memref<4x128xf32, #tpu.memory_space<vmem>>, vector<4x128xf32>
      tpu.vector_store %arg8[%swap3A_50, %swap3A_51], %concatenate3A {strides = array<i32>} : memref<4x128xf32, #tpu.memory_space<vmem>>, vector<4x128xf32>,
    } else {
    }
    %gt3A = arith.constant 0 : i32
    %gt3A_41 = arith.cmpi sgt, %arg0, %gt3A : i32
    %convert_element_type3A_42 = arith.extui %gt3A_41 : i1 to i32
    %cond3A_43 = arith.constant 0 : i32
    %cond3A_44 = arith.cmpi ne, %convert_element_type3A_42, %cond3A_43 : i32
    scf.if %cond3A_44 {
      %get3A_50 = arith.constant 0 : index
      %get3A_51 = arith.constant 0 : index
      %get3A_52 = vector.load %arg8[%get3A_50, %get3A_51] : memref<4x128xf32, #tpu.memory_space<vmem>>, vector<4x128xf32>
      %add3A_53 = arith.addf %get3A_52, %concatenate3A : vector<4x128xf32>
      %swap3A_54 = arith.constant 0 : index
      %swap3A_55 = arith.constant 0 : index
      %swap3A_56 = vector.load %arg8[%swap3A_54, %swap3A_55] : memref<4x128xf32, #tpu.memory_space<vmem>>, vector<4x128xf32>
      tpu.vector_store %arg8[%swap3A_54, %swap3A_55], %add3A_53 {strides = array<i32>} : memref<4x128xf32, #tpu.memory_space<vmem>>, vector<4x128xf32>,
    } else {
    }
    %eq3A_45 = arith.constant 7 : i32
    %eq3A_46 = arith.cmpi eq, %arg0, %eq3A_45 : i32
    %convert_element_type3A_47 = arith.extui %eq3A_46 : i1 to i32
    %cond3A_48 = arith.constant 0 : i32
    %cond3A_49 = arith.cmpi ne, %convert_element_type3A_47, %cond3A_48 : i32
    scf.if %cond3A_49 {
      %get3A_50 = arith.constant 0 : index
      %get3A_51 = arith.constant 0 : index
      %get3A_52 = vector.load %arg8[%get3A_50, %get3A_51] : memref<4x128xf32, #tpu.memory_space<vmem>>, vector<4x128xf32>
      %swap3A_53 = arith.constant 0 : index
      %swap3A_54 = arith.constant 0 : index
      %swap3A_55 = vector.load %arg7[%swap3A_53, %swap3A_54] : memref<4x128xf32, #tpu.memory_space<vmem>>, vector<4x128xf32>
      tpu.vector_store %arg7[%swap3A_53, %swap3A_54], %get3A_52 {strides = array<i32>} : memref<4x128xf32, #tpu.memory_space<vmem>>, vector<4x128xf32>,
    } else {
    }
    return
  }
  func.func @transform_0(%arg0: i32) -> (i32, i32) {
    %c0_i32 = arith.constant 0 : i32
    %c0_i32_0 = arith.constant 0 : i32
    return %arg0, %c0_i32 : i32, i32
  }
  func.func @transform_1(%arg0: i32) -> (i32, i32) {
    %c0_i32 = arith.constant 0 : i32
    %c0_i32_0 = arith.constant 0 : i32
    return %arg0, %c0_i32 : i32, i32
  }
  func.func @transform_2(%arg0: i32) -> (i32, i32) {
    %c0_i32 = arith.constant 0 : i32
    %c0_i32_0 = arith.constant 0 : i32
    %c0_i32_1 = arith.constant 0 : i32
    return %c0_i32, %c0_i32_0 : i32, i32
  }
  func.func @transform_3(%arg0: i32) -> (i32, i32) {
    %c0_i32 = arith.constant 0 : i32
    %c0_i32_0 = arith.constant 0 : i32
    %c0_i32_1 = arith.constant 0 : i32
    return %c0_i32, %c0_i32_0 : i32, i32
  }
  func.func @transform_4(%arg0: i32) -> (i32, i32) {
    %c0_i32 = arith.constant 0 : i32
    %c0_i32_0 = arith.constant 0 : i32
    return %arg0, %c0_i32 : i32, i32
  }
  func.func @transform_5(%arg0: i32) -> (i32, i32) {
    %c0_i32 = arith.constant 0 : i32
    %c0_i32_0 = arith.constant 0 : i32
    return %arg0, %c0_i32 : i32, i32
  }
  func.func @transform_6(%arg0: i32) -> (i32, i32) {
    %c0_i32 = arith.constant 0 : i32
    %c0_i32_0 = arith.constant 0 : i32
    %c0_i32_1 = arith.constant 0 : i32
    return %c0_i32, %c0_i32_0 : i32, i32
  }
}

module attributes {stable_mosaic.version = 14 : i64} {
  func.func @_final_body(%arg0: i32, %arg1: memref<2048x128xf32, #tpu.memory_space<vmem>>, %arg2: memref<2048x128xf32, #tpu.memory_space<vmem>>, %arg3: memref<2048x128xf32, #tpu.memory_space<vmem>>, %arg4: memref<2048x128xf32, #tpu.memory_space<vmem>>, %arg5: memref<256x128xf32, #tpu.memory_space<vmem>>, %arg6: memref<4x128xf32, #tpu.memory_space<vmem>>, %arg7: memref<4x128xf32, #tpu.memory_space<vmem>>, %arg8: memref<1x128xf32, #tpu.memory_space<vmem>>, %arg9: memref<1x128xf32, #tpu.memory_space<vmem>>, %arg10: memref<2048x1xf32, #tpu.memory_space<vmem>>) attributes {dimension_semantics = [#tpu.dimension_semantics<arbitrary>], iteration_bounds = array<i64: 8>, scalar_prefetch = 0 : i64, scratch_operands = 0 : i64, tpu.core_type = #tpu.core_type<tc>, window_params = [{transform_indices = @transform_0, window_bounds = array<i64: 2048, 128>}, {transform_indices = @transform_1, window_bounds = array<i64: 2048, 128>}, {transform_indices = @transform_2, window_bounds = array<i64: 2048, 128>}, {transform_indices = @transform_3, window_bounds = array<i64: 2048, 128>}, {transform_indices = @transform_4, window_bounds = array<i64: 256, 128>}, {pipeline_mode = #tpu.pipeline_mode<synchronous>, transform_indices = @transform_5, window_bounds = array<i64: 4, 128>}, {pipeline_mode = #tpu.pipeline_mode<synchronous>, transform_indices = @transform_6, window_bounds = array<i64: 4, 128>}, {pipeline_mode = #tpu.pipeline_mode<synchronous>, transform_indices = @transform_7, window_bounds = array<i64: 1, 128>}, {pipeline_mode = #tpu.pipeline_mode<synchronous>, transform_indices = @transform_8, window_bounds = array<i64: 1, 128>}, {transform_indices = @transform_9, window_bounds = array<i64: 2048, 1>}]} {
    %get3A = arith.constant 0 : index
    %get3A_0 = arith.constant 0 : index
    %get3A_1 = vector.load %arg8[%get3A, %get3A_0] : memref<1x128xf32, #tpu.memory_space<vmem>>, vector<1x128xf32>
    %get3A_2 = arith.constant 0 : index
    %get3A_3 = arith.constant 0 : index
    %get3A_4 = vector.load %arg9[%get3A_2, %get3A_3] : memref<1x128xf32, #tpu.memory_space<vmem>>, vector<1x128xf32>
    %get3A_5 = arith.constant 0 : index
    %get3A_6 = arith.constant 0 : index
    %get3A_7 = vector.load %arg6[%get3A_5, %get3A_6] : memref<4x128xf32, #tpu.memory_space<vmem>>, vector<4x128xf32>
    %get3A_8 = arith.constant 0 : index
    %get3A_9 = arith.constant 0 : index
    %get3A_10 = vector.load %arg7[%get3A_8, %get3A_9] : memref<4x128xf32, #tpu.memory_space<vmem>>, vector<4x128xf32>
    %add3A = arith.addf %get3A_7, %get3A_10 : vector<4x128xf32>
    %slice3A = vector.extract_strided_slice %add3A {offsets = [0, 0], sizes = [1, 128], strides = [1, 1]} : vector<4x128xf32> to vector<1x128xf32>
    %div3A = arith.constant 1.638400e+04 : f32
    %div3A_11 = vector.broadcast %div3A : f32 to vector<1x128xf32>
    %div3A_12 = arith.divf %slice3A, %div3A_11 : vector<1x128xf32>
    %slice3A_13 = vector.extract_strided_slice %add3A {offsets = [1, 0], sizes = [1, 128], strides = [1, 1]} : vector<4x128xf32> to vector<1x128xf32>
    %div3A_14 = arith.constant 1.638400e+04 : f32
    %div3A_15 = vector.broadcast %div3A_14 : f32 to vector<1x128xf32>
    %div3A_16 = arith.divf %slice3A_13, %div3A_15 : vector<1x128xf32>
    %mul3A = arith.mulf %div3A_12, %div3A_12 : vector<1x128xf32>
    %sub3A = arith.subf %div3A_16, %mul3A : vector<1x128xf32>
    %add3A_17 = arith.constant 9.99999974E-6 : f32
    %add3A_18 = vector.broadcast %add3A_17 : f32 to vector<1x128xf32>
    %add3A_19 = arith.addf %sub3A, %add3A_18 : vector<1x128xf32>
    %rsqrt3A = math.rsqrt %add3A_19 : vector<1x128xf32>
    %slice3A_20 = vector.extract_strided_slice %add3A {offsets = [2, 0], sizes = [1, 128], strides = [1, 1]} : vector<4x128xf32> to vector<1x128xf32>
    %div3A_21 = arith.constant 1.638400e+04 : f32
    %div3A_22 = vector.broadcast %div3A_21 : f32 to vector<1x128xf32>
    %div3A_23 = arith.divf %slice3A_20, %div3A_22 : vector<1x128xf32>
    %slice3A_24 = vector.extract_strided_slice %add3A {offsets = [3, 0], sizes = [1, 128], strides = [1, 1]} : vector<4x128xf32> to vector<1x128xf32>
    %div3A_25 = arith.constant 1.638400e+04 : f32
    %div3A_26 = vector.broadcast %div3A_25 : f32 to vector<1x128xf32>
    %div3A_27 = arith.divf %slice3A_24, %div3A_26 : vector<1x128xf32>
    %mul3A_28 = arith.mulf %div3A_23, %div3A_23 : vector<1x128xf32>
    %sub3A_29 = arith.subf %div3A_27, %mul3A_28 : vector<1x128xf32>
    %add3A_30 = arith.constant 9.99999974E-6 : f32
    %add3A_31 = vector.broadcast %add3A_30 : f32 to vector<1x128xf32>
    %add3A_32 = arith.addf %sub3A_29, %add3A_31 : vector<1x128xf32>
    %rsqrt3A_33 = math.rsqrt %add3A_32 : vector<1x128xf32>
    %get3A_34 = arith.constant 0 : index
    %get3A_35 = arith.constant 0 : index
    %get3A_36 = vector.load %arg1[%get3A_34, %get3A_35] : memref<2048x128xf32, #tpu.memory_space<vmem>>, vector<2048x128xf32>
    %sub3A_37 = vector.broadcast %div3A_12 : vector<1x128xf32> to vector<2048x128xf32>
    %sub3A_38 = arith.subf %get3A_36, %sub3A_37 : vector<2048x128xf32>
    %mul3A_39 = vector.broadcast %get3A_1 : vector<1x128xf32> to vector<2048x128xf32>
    %mul3A_40 = arith.mulf %mul3A_39, %sub3A_38 : vector<2048x128xf32>
    %mul3A_41 = vector.broadcast %rsqrt3A : vector<1x128xf32> to vector<2048x128xf32>
    %mul3A_42 = arith.mulf %mul3A_40, %mul3A_41 : vector<2048x128xf32>
    %add3A_43 = vector.broadcast %get3A_4 : vector<1x128xf32> to vector<2048x128xf32>
    %add3A_44 = arith.addf %mul3A_42, %add3A_43 : vector<2048x128xf32>
    %get3A_45 = arith.constant 0 : index
    %get3A_46 = arith.constant 0 : index
    %get3A_47 = vector.load %arg2[%get3A_45, %get3A_46] : memref<2048x128xf32, #tpu.memory_space<vmem>>, vector<2048x128xf32>
    %sub3A_48 = vector.broadcast %div3A_23 : vector<1x128xf32> to vector<2048x128xf32>
    %sub3A_49 = arith.subf %get3A_47, %sub3A_48 : vector<2048x128xf32>
    %mul3A_50 = vector.broadcast %get3A_1 : vector<1x128xf32> to vector<2048x128xf32>
    %mul3A_51 = arith.mulf %mul3A_50, %sub3A_49 : vector<2048x128xf32>
    %mul3A_52 = vector.broadcast %rsqrt3A_33 : vector<1x128xf32> to vector<2048x128xf32>
    %mul3A_53 = arith.mulf %mul3A_51, %mul3A_52 : vector<2048x128xf32>
    %add3A_54 = vector.broadcast %get3A_4 : vector<1x128xf32> to vector<2048x128xf32>
    %add3A_55 = arith.addf %mul3A_53, %add3A_54 : vector<2048x128xf32>
    %get3A_56 = arith.constant 0 : index
    %get3A_57 = arith.constant 0 : index
    %get3A_58 = vector.load %arg3[%get3A_56, %get3A_57] : memref<2048x128xf32, #tpu.memory_space<vmem>>, vector<2048x128xf32>
    %mul3A_59 = arith.mulf %add3A_44, %get3A_58 : vector<2048x128xf32>
    %reduce_sum3A = arith.constant dense<0.000000e+00> : vector<2048xf32>
    %reduce_sum3A_60 = vector.multi_reduction <add>, %mul3A_59, %reduce_sum3A [1] : vector<2048x128xf32> to vector<2048xf32>
    %broadcast_in_dim3A = vector.shape_cast %reduce_sum3A_60 : vector<2048xf32> to vector<2048x1xf32>
    %mul3A_61 = arith.constant 1.000000e+00 : f32
    %mul3A_62 = vector.broadcast %mul3A_61 : f32 to vector<2048x1xf32>
    %mul3A_63 = arith.mulf %mul3A_62, %broadcast_in_dim3A : vector<2048x1xf32>
    %logistic3A = arith.negf %mul3A_63 : vector<2048x1xf32>
    %logistic3A_64 = math.exp %logistic3A : vector<2048x1xf32>
    %logistic3A_65 = arith.constant 1.000000e+00 : f32
    %logistic3A_66 = vector.broadcast %logistic3A_65 : f32 to vector<2048x1xf32>
    %logistic3A_67 = arith.addf %logistic3A_66, %logistic3A_64 : vector<2048x1xf32>
    %logistic3A_68 = arith.divf %logistic3A_66, %logistic3A_67 : vector<2048x1xf32>
    %get3A_69 = arith.constant 0 : index
    %get3A_70 = arith.constant 0 : index
    %get3A_71 = vector.load %arg4[%get3A_69, %get3A_70] : memref<2048x128xf32, #tpu.memory_space<vmem>>, vector<2048x128xf32>
    %mul3A_72 = arith.mulf %add3A_55, %get3A_71 : vector<2048x128xf32>
    %reduce_sum3A_73 = arith.constant dense<0.000000e+00> : vector<2048xf32>
    %reduce_sum3A_74 = vector.multi_reduction <add>, %mul3A_72, %reduce_sum3A_73 [1] : vector<2048x128xf32> to vector<2048xf32>
    %broadcast_in_dim3A_75 = vector.shape_cast %reduce_sum3A_74 : vector<2048xf32> to vector<2048x1xf32>
    %mul3A_76 = arith.constant 1.000000e+00 : f32
    %mul3A_77 = vector.broadcast %mul3A_76 : f32 to vector<2048x1xf32>
    %mul3A_78 = arith.mulf %mul3A_77, %broadcast_in_dim3A_75 : vector<2048x1xf32>
    %logistic3A_79 = arith.negf %mul3A_78 : vector<2048x1xf32>
    %logistic3A_80 = math.exp %logistic3A_79 : vector<2048x1xf32>
    %logistic3A_81 = arith.constant 1.000000e+00 : f32
    %logistic3A_82 = vector.broadcast %logistic3A_81 : f32 to vector<2048x1xf32>
    %logistic3A_83 = arith.addf %logistic3A_82, %logistic3A_80 : vector<2048x1xf32>
    %logistic3A_84 = arith.divf %logistic3A_82, %logistic3A_83 : vector<2048x1xf32>
    %iota3A = tpu.iota {dimensions = array<i32: 0>} : vector<2048x256xi32>
    %jit3A = arith.constant 8 : i32
    %div3A_85 = vector.broadcast %jit3A : i32 to vector<2048x256xi32>
    %div3A_86 = arith.divsi %iota3A, %div3A_85 : vector<2048x256xi32>
    %sign3A = arith.constant 0 : i32
    %sign3A_87 = vector.broadcast %sign3A : i32 to vector<2048x256xi32>
    %sign3A_88 = arith.cmpi sgt, %iota3A, %sign3A_87 : vector<2048x256xi32>
    %sign3A_89 = arith.extui %sign3A_88 : vector<2048x256xi1> to vector<2048x256xi32>
    %sign3A_90 = arith.constant 0 : i32
    %sign3A_91 = vector.broadcast %sign3A_90 : i32 to vector<2048x256xi32>
    %sign3A_92 = arith.cmpi slt, %iota3A, %sign3A_91 : vector<2048x256xi32>
    %sign3A_93 = arith.extui %sign3A_92 : vector<2048x256xi1> to vector<2048x256xi32>
    %sign3A_94 = arith.subi %sign3A_89, %sign3A_93 : vector<2048x256xi32>
    %sign3A_95 = arith.constant 0 : i32
    %sign3A_96 = arith.cmpi sgt, %jit3A, %sign3A_95 : i32
    %sign3A_97 = arith.extui %sign3A_96 : i1 to i32
    %sign3A_98 = arith.constant 0 : i32
    %sign3A_99 = arith.cmpi slt, %jit3A, %sign3A_98 : i32
    %sign3A_100 = arith.extui %sign3A_99 : i1 to i32
    %sign3A_101 = arith.subi %sign3A_97, %sign3A_100 : i32
    %ne3A = vector.broadcast %sign3A_101 : i32 to vector<2048x256xi32>
    %ne3A_102 = arith.cmpi ne, %sign3A_94, %ne3A : vector<2048x256xi32>
    %rem3A = vector.broadcast %jit3A : i32 to vector<2048x256xi32>
    %rem3A_103 = arith.remsi %iota3A, %rem3A : vector<2048x256xi32>
    %ne3A_104 = arith.constant 0 : i32
    %ne3A_105 = vector.broadcast %ne3A_104 : i32 to vector<2048x256xi32>
    %ne3A_106 = arith.cmpi ne, %rem3A_103, %ne3A_105 : vector<2048x256xi32>
    %and3A = arith.andi %ne3A_102, %ne3A_106 : vector<2048x256xi1>
    %sub3A_107 = arith.constant 1 : i32
    %sub3A_108 = vector.broadcast %sub3A_107 : i32 to vector<2048x256xi32>
    %sub3A_109 = arith.subi %div3A_86, %sub3A_108 : vector<2048x256xi32>
    %select_n3A = arith.select %and3A, %sub3A_109, %div3A_86 : vector<2048x256xi1>, vector<2048x256xi32>
    %iota3A_110 = tpu.iota {dimensions = array<i32: 1>} : vector<2048x256xi32>
    %eq3A = arith.cmpi eq, %select_n3A, %iota3A_110 : vector<2048x256xi32>
    %convert_element_type3A = arith.extui %eq3A : vector<2048x256xi1> to vector<2048x256xi32>
    %convert_element_type3A_111 = arith.sitofp %convert_element_type3A : vector<2048x256xi32> to vector<2048x256xf32>
    %get3A_112 = arith.constant 0 : index
    %get3A_113 = arith.constant 0 : index
    %get3A_114 = vector.load %arg5[%get3A_112, %get3A_113] : memref<256x128xf32, #tpu.memory_space<vmem>>, vector<256x128xf32>
    %dot_general3A = arith.constant dense<0.000000e+00> : vector<2048x128xf32>
    %dot_general3A_115 = tpu.matmul %convert_element_type3A_111, %get3A_114, %dot_general3A {dimension_numbers = #tpu.dot_dimension_numbers<[1], [0], [0], [1], [0, 0, 1, 1], [], []>, transpose_lhs_hint = false} : vector<2048x256xf32>, vector<256x128xf32>, vector<2048x128xf32> -> vector<2048x128xf32>
    %iota3A_116 = tpu.iota {dimensions = array<i32: 1>} : vector<2048x128xi32>
    %jit3A_117 = arith.constant 16 : i32
    %div3A_118 = vector.broadcast %jit3A_117 : i32 to vector<2048x128xi32>
    %div3A_119 = arith.divsi %iota3A_116, %div3A_118 : vector<2048x128xi32>
    %sign3A_120 = arith.constant 0 : i32
    %sign3A_121 = vector.broadcast %sign3A_120 : i32 to vector<2048x128xi32>
    %sign3A_122 = arith.cmpi sgt, %iota3A_116, %sign3A_121 : vector<2048x128xi32>
    %sign3A_123 = arith.extui %sign3A_122 : vector<2048x128xi1> to vector<2048x128xi32>
    %sign3A_124 = arith.constant 0 : i32
    %sign3A_125 = vector.broadcast %sign3A_124 : i32 to vector<2048x128xi32>
    %sign3A_126 = arith.cmpi slt, %iota3A_116, %sign3A_125 : vector<2048x128xi32>
    %sign3A_127 = arith.extui %sign3A_126 : vector<2048x128xi1> to vector<2048x128xi32>
    %sign3A_128 = arith.subi %sign3A_123, %sign3A_127 : vector<2048x128xi32>
    %sign3A_129 = arith.constant 0 : i32
    %sign3A_130 = arith.cmpi sgt, %jit3A_117, %sign3A_129 : i32
    %sign3A_131 = arith.extui %sign3A_130 : i1 to i32
    %sign3A_132 = arith.constant 0 : i32
    %sign3A_133 = arith.cmpi slt, %jit3A_117, %sign3A_132 : i32
    %sign3A_134 = arith.extui %sign3A_133 : i1 to i32
    %sign3A_135 = arith.subi %sign3A_131, %sign3A_134 : i32
    %ne3A_136 = vector.broadcast %sign3A_135 : i32 to vector<2048x128xi32>
    %ne3A_137 = arith.cmpi ne, %sign3A_128, %ne3A_136 : vector<2048x128xi32>
    %rem3A_138 = vector.broadcast %jit3A_117 : i32 to vector<2048x128xi32>
    %rem3A_139 = arith.remsi %iota3A_116, %rem3A_138 : vector<2048x128xi32>
    %ne3A_140 = arith.constant 0 : i32
    %ne3A_141 = vector.broadcast %ne3A_140 : i32 to vector<2048x128xi32>
    %ne3A_142 = arith.cmpi ne, %rem3A_139, %ne3A_141 : vector<2048x128xi32>
    %and3A_143 = arith.andi %ne3A_137, %ne3A_142 : vector<2048x128xi1>
    %sub3A_144 = arith.constant 1 : i32
    %sub3A_145 = vector.broadcast %sub3A_144 : i32 to vector<2048x128xi32>
    %sub3A_146 = arith.subi %div3A_119, %sub3A_145 : vector<2048x128xi32>
    %select_n3A_147 = arith.select %and3A_143, %sub3A_146, %div3A_119 : vector<2048x128xi1>, vector<2048x128xi32>
    %iota3A_148 = tpu.iota {dimensions = array<i32: 0>} : vector<2048x128xi32>
    %jit3A_149 = arith.constant 8 : i32
    %eq3A_150 = arith.constant 0 : i32
    %eq3A_151 = arith.cmpi eq, %jit3A_149, %eq3A_150 : i32
    %jit3A_152 = arith.constant 1 : i32
    %select_n3A_153 = arith.select %eq3A_151, %jit3A_152, %jit3A_149 : i32
    %rem3A_154 = vector.broadcast %select_n3A_153 : i32 to vector<2048x128xi32>
    %rem3A_155 = arith.remsi %iota3A_148, %rem3A_154 : vector<2048x128xi32>
    %ne3A_156 = arith.constant 0 : i32
    %ne3A_157 = vector.broadcast %ne3A_156 : i32 to vector<2048x128xi32>
    %ne3A_158 = arith.cmpi ne, %rem3A_155, %ne3A_157 : vector<2048x128xi32>
    %lt3A = arith.constant 0 : i32
    %lt3A_159 = vector.broadcast %lt3A : i32 to vector<2048x128xi32>
    %lt3A_160 = arith.cmpi slt, %rem3A_155, %lt3A_159 : vector<2048x128xi32>
    %lt3A_161 = arith.constant 0 : i32
    %lt3A_162 = arith.cmpi slt, %select_n3A_153, %lt3A_161 : i32
    %ne3A_163 = vector.broadcast %lt3A_162 : i1 to vector<2048x128xi1>
    %ne3A_164 = vector.broadcast %ne3A_163 : vector<2048x128xi1> to vector<2048x128xi1>
    %ne3A_165 = arith.xori %lt3A_160, %ne3A_164 : vector<2048x128xi1>
    %and3A_166 = arith.andi %ne3A_165, %ne3A_158 : vector<2048x128xi1>
    %add3A_167 = vector.broadcast %select_n3A_153 : i32 to vector<2048x128xi32>
    %add3A_168 = arith.addi %rem3A_155, %add3A_167 : vector<2048x128xi32>
    %select_n3A_169 = arith.select %and3A_166, %add3A_168, %rem3A_155 : vector<2048x128xi1>, vector<2048x128xi32>
    %eq3A_170 = arith.cmpi eq, %select_n3A_147, %select_n3A_169 : vector<2048x128xi32>
    %convert_element_type3A_171 = arith.extui %eq3A_170 : vector<2048x128xi1> to vector<2048x128xi32>
    %convert_element_type3A_172 = arith.sitofp %convert_element_type3A_171 : vector<2048x128xi32> to vector<2048x128xf32>
    %mul3A_173 = arith.mulf %dot_general3A_115, %convert_element_type3A_172 : vector<2048x128xf32>
    %reduce_sum3A_174 = arith.constant dense<0.000000e+00> : vector<2048xf32>
    %reduce_sum3A_175 = vector.multi_reduction <add>, %mul3A_173, %reduce_sum3A_174 [1] : vector<2048x128xf32> to vector<2048xf32>
    %broadcast_in_dim3A_176 = vector.shape_cast %reduce_sum3A_175 : vector<2048xf32> to vector<2048x1xf32>
    %mul3A_177 = arith.constant 1.000000e+00 : f32
    %mul3A_178 = vector.broadcast %mul3A_177 : f32 to vector<2048x1xf32>
    %mul3A_179 = arith.mulf %mul3A_178, %broadcast_in_dim3A_176 : vector<2048x1xf32>
    %logistic3A_180 = arith.negf %mul3A_179 : vector<2048x1xf32>
    %logistic3A_181 = math.exp %logistic3A_180 : vector<2048x1xf32>
    %logistic3A_182 = arith.constant 1.000000e+00 : f32
    %logistic3A_183 = vector.broadcast %logistic3A_182 : f32 to vector<2048x1xf32>
    %logistic3A_184 = arith.addf %logistic3A_183, %logistic3A_181 : vector<2048x1xf32>
    %logistic3A_185 = arith.divf %logistic3A_183, %logistic3A_184 : vector<2048x1xf32>
    %mul3A_186 = arith.constant 2.000000e+01 : f32
    %mul3A_187 = vector.broadcast %mul3A_186 : f32 to vector<2048x1xf32>
    %mul3A_188 = arith.mulf %mul3A_187, %logistic3A_185 : vector<2048x1xf32>
    %mul3A_189 = arith.mulf %mul3A_188, %logistic3A_68 : vector<2048x1xf32>
    %mul3A_190 = arith.mulf %mul3A_189, %logistic3A_84 : vector<2048x1xf32>
    %swap3A = arith.constant 0 : index
    %swap3A_191 = arith.constant 0 : index
    %swap3A_192 = vector.load %arg10[%swap3A, %swap3A_191] : memref<2048x1xf32, #tpu.memory_space<vmem>>, vector<2048x1xf32>
    tpu.vector_store %arg10[%swap3A, %swap3A_191], %mul3A_190 {strides = array<i32>} : memref<2048x1xf32, #tpu.memory_space<vmem>>, vector<2048x1xf32>,
    return
  }
  func.func @transform_0(%arg0: i32) -> (i32, i32) {
    %c0_i32 = arith.constant 0 : i32
    %c0_i32_0 = arith.constant 0 : i32
    return %arg0, %c0_i32 : i32, i32
  }
  func.func @transform_1(%arg0: i32) -> (i32, i32) {
    %c0_i32 = arith.constant 0 : i32
    %c0_i32_0 = arith.constant 0 : i32
    return %arg0, %c0_i32 : i32, i32
  }
  func.func @transform_2(%arg0: i32) -> (i32, i32) {
    %c0_i32 = arith.constant 0 : i32
    %c0_i32_0 = arith.constant 0 : i32
    return %arg0, %c0_i32 : i32, i32
  }
  func.func @transform_3(%arg0: i32) -> (i32, i32) {
    %c0_i32 = arith.constant 0 : i32
    %c0_i32_0 = arith.constant 0 : i32
    return %arg0, %c0_i32 : i32, i32
  }
  func.func @transform_4(%arg0: i32) -> (i32, i32) {
    %c0_i32 = arith.constant 0 : i32
    %c0_i32_0 = arith.constant 0 : i32
    return %arg0, %c0_i32 : i32, i32
  }
  func.func @transform_5(%arg0: i32) -> (i32, i32) {
    %c0_i32 = arith.constant 0 : i32
    %c0_i32_0 = arith.constant 0 : i32
    %c0_i32_1 = arith.constant 0 : i32
    return %c0_i32, %c0_i32_0 : i32, i32
  }
  func.func @transform_6(%arg0: i32) -> (i32, i32) {
    %c0_i32 = arith.constant 0 : i32
    %c0_i32_0 = arith.constant 0 : i32
    %c0_i32_1 = arith.constant 0 : i32
    return %c0_i32, %c0_i32_0 : i32, i32
  }
  func.func @transform_7(%arg0: i32) -> (i32, i32) {
    %c0_i32 = arith.constant 0 : i32
    %c0_i32_0 = arith.constant 0 : i32
    %c0_i32_1 = arith.constant 0 : i32
    return %c0_i32, %c0_i32_0 : i32, i32
  }
  func.func @transform_8(%arg0: i32) -> (i32, i32) {
    %c0_i32 = arith.constant 0 : i32
    %c0_i32_0 = arith.constant 0 : i32
    %c0_i32_1 = arith.constant 0 : i32
    return %c0_i32, %c0_i32_0 : i32, i32
  }
  func.func @transform_9(%arg0: i32) -> (i32, i32) {
    %c0_i32 = arith.constant 0 : i32
    %c0_i32_0 = arith.constant 0 : i32
    return %arg0, %c0_i32 : i32, i32
  }
}

</mosaic_0001>

<sc_bundles>
// kernel: kernel.5.cloned.1.call-start
scs
__scs_entry_jumppad:
0x0: {  	(pc) =	sbr.rel $0x88, $3  }
0x1: {  	(tag) =	ssettag $0x0;
	lr =	simm.s32 $0x1  }
0x2: {  	[smem:$0x3F95] =	sst lr;
	_ =	strace $0xD0000000  }
0x3: {  	_ = 	snop  }
0x4: {  	_ = 	snop  }
0x5: {  	_ = 	snop  }
0x6: {  	_ = 	snop  }
0x7: {  	_ = 	snop  }
__scs_overlays_trampoline_lowered:
0x8: {  	[smem:$0x3FA4] =	sst s0  }
0x9: {  	[smem:$0x3FA5] =	sst s1  }
0xa: {  	[smem:$0x3FA6] =	sst s2  }
0xb: {  	[smem:$0x3FA7] =	sst s3  }
0xc: {  	[smem:$0x3FA8] =	sst s4  }
0xd: {  	[smem:$0x3FA9] =	sst s5  }
0xe: {  	[smem:$0x3FAA] =	sst s6  }
0xf: {  	[smem:$0x3FAB] =	sst s7  }
0x10: {  	[smem:$0x3FAC] =	sst s8  }
0x11: {  	[smem:$0x3FAD] =	sst s9;
	s0 =	simm.s32 @!p0 $0x0  }
0x12: {  	s1 =	sld [smem:$0x3F93];
	s0 =	simm.s32 @p0 $0x1  }
0x13: {  	[smem:$0x3FAE] =	sst s0;
	s0 =	simm.s32 @!p1 $0x0  }
0x14: {  	s2 =	sld [smem:$0x3F92];
	s0 =	simm.s32 @p1 $0x1  }
0x15: {  	[smem:$0x3FAF] =	sst s0;
	s0 =	simm.s32 @!p2 $0x0  }
0x16: {  	s3 =	sld [smem:$0x3FDB];
	s0 =	simm.s32 @p2 $0x1  }
0x17: {  	s4 =	simm.s32 $0x1BF5;
	[smem:$0x3FB1] =	sst s0  }
0x18: {  	s0 =	sld [smem:$0x3F94];
	_ =	swait.ge [sflag:s4], $0x0  }
0x19: {  	s7 =	sld [smem:$0x3F95]  }
0x1a: {  	s8 =	sadd.s32 $0xFFFFE003, lr  }
0x1b: {  	s9 =	sadd.s32 $0xFFFFFEF7, lr;
	s5 =	simm.s32 $0xFFFFFFFF;
	p2 =	slt.u32 s8, $0xFFFFF086  }
0x1c: {  	p1 =	slt.u32 s9, $0xF7A;
	s5 =	simm.s32 @!p2 $0x0  }
0x1d: {  	s5 =	simm.s32 @p1 $0x1;
	p0 =	seq.s32 s7, s2  }
0x1e: {  	s7 =	smul.u32 @!p0 $0xF7A, s2;
	p2 =	seq.s32 @!p0 s5, $0x0  }
0x1f: {  	s9 =	smul.u32 $0xF7A, s1;
	s8 =	simm.s32 @!p0 $0x1BF5;
	p2 =	por !p2, p0  }
0x20: {  	[sflag:s8] =	ssyncset.s32 @!p0 $0xFFFFF086;
	s6 =	sadd.s32 @!p0 s3, s7;
	s7 =	simm.s32 @!p0 $0x108  }
0x21: {  	s3 =	sadd.s32 s3, s9;
	s6 =	sadd.s32 @!p0 $0x88, s6;
	s7 =	simm.s32 @p2 $0x1082  }
0x22: {  	[simem:s7], [sflag:s8] =	dma.local @!p0 [hbm:s6], $0xF7A  }
0x23: {  	s9 =	sor.u32 $0xD0000000, s2;
	s6 =	simm.s32 $0x108;
	_ =	swait.ge @!p0 [sflag:s8], $0x0  }
0x24: {  	s3 =	sadd.s32 $0x88, s3;
	s6 =	simm.s32 @!p1 $0x1082;
	[sflag:s4] =	ssyncset.s32 $0xFFFFF086  }
0x25: {  	[simem:s6], [sflag:s4] =	dma.local [hbm:s3], $0xF7A  }
0x26: {  	[smem:$0x3F95] =	sst s1;
	(tag) =	ssettag s2;
	_ =	strace s9  }
0x27: {  	s1 =	sld [smem:$0x3FA5]  }
0x28: {  	s2 =	sld [smem:$0x3FA6]  }
0x29: {  	s4 =	sld [smem:$0x3FA8]  }
0x2a: {  	p0 =	seq.s32 s5, $0x0;
	s5 =	sld [smem:$0x3FA9]  }
0x2b: {  	s6 =	sld [smem:$0x3FAA]  }
0x2c: {  	s7 =	sld [smem:$0x3FAB]  }
0x2d: {  	s3 =	simm.s32 $0x108;
	s8 =	sld [smem:$0x3FAC]  }
0x2e: {  	s3 =	simm.s32 @!p0 $0x1082;
	s9 =	sld [smem:$0x3FAD]  }
0x2f: {  	lr =	sadd.s32 s0, s3;
	s0 =	sld [smem:$0x3FA4]  }
0x30: {  	s3 =	sld [smem:$0x3FA7]  }
0x31: {  	[smem:$0x3FB0] =	sst s10  }
0x32: {  	s10 =	sld [smem:$0x3FAE];
	_ =	sdelay $0x3  }
0x33: {  	p0 =	seq.s32 s10, $0x1;
	s10 =	sld [smem:$0x3FB0];
	_ =	sdelay $0x3  }
0x34: {  	[smem:$0x3FB0] =	sst s10  }
0x35: {  	s10 =	sld [smem:$0x3FAF];
	_ =	sdelay $0x3  }
0x36: {  	p1 =	seq.s32 s10, $0x1;
	s10 =	sld [smem:$0x3FB0];
	_ =	sdelay $0x3  }
0x37: {  	[smem:$0x3FB0] =	sst s10  }
0x38: {  	s10 =	sld [smem:$0x3FB1]  }
0x39: {  	_ = 	snop;
	(pc) =	sbr.ind lr, $3  }
0x3a: {  	_ = 	snop  }
0x3b: {  	_ = 	snop  }
0x3c: {  	p2 =	seq.s32 s10, $0x1;
	s10 =	sld [smem:$0x3FB0]  }
0x3d: {  	_ =	shalt  }
0x3e: {  	_ =	shalt  }
0x3f: {  	_ =	shalt  }
0x40: {  	_ =	shalt  }
0x41: {  	_ =	shalt  }
0x42: {  	_ =	shalt  }
0x43: {  	_ =	shalt  }
0x44: {  	_ =	shalt  }
0x45: {  	_ =	shalt  }
0x46: {  	_ =	shalt  }
0x47: {  	_ =	shalt  }
0x48: {  	_ =	shalt  }
0x49: {  	_ =	shalt  }
0x4a: {  	_ =	shalt  }
0x4b: {  	_ =	shalt  }
0x4c: {  	_ =	shalt  }
0x4d: {  	_ =	shalt  }
0x4e: {  	_ =	shalt  }
0x4f: {  	_ =	shalt  }
0x50: {  	_ =	shalt  }
0x51: {  	_ =	shalt  }
0x52: {  	_ =	shalt  }
0x53: {  	_ =	shalt  }
0x54: {  	_ =	shalt  }
0x55: {  	_ =	shalt  }
0x56: {  	_ =	shalt  }
0x57: {  	_ =	shalt  }
0x58: {  	_ =	shalt  }
0x59: {  	_ =	shalt  }
0x5a: {  	_ =	shalt  }
0x5b: {  	_ =	shalt  }
0x5c: {  	_ =	shalt  }
0x5d: {  	_ =	shalt  }
0x5e: {  	_ =	shalt  }
0x5f: {  	_ =	shalt  }
0x60: {  	_ =	shalt  }
0x61: {  	_ =	shalt  }
0x62: {  	_ =	shalt  }
0x63: {  	_ =	shalt  }
0x64: {  	_ =	shalt  }
0x65: {  	_ =	shalt  }
0x66: {  	_ =	shalt  }
0x67: {  	_ =	shalt  }
0x68: {  	_ =	shalt  }
0x69: {  	_ =	shalt  }
0x6a: {  	_ =	shalt  }
0x6b: {  	_ =	shalt  }
0x6c: {  	_ =	shalt  }
0x6d: {  	_ =	shalt  }
0x6e: {  	_ =	shalt  }
0x6f: {  	_ =	shalt  }
0x70: {  	_ =	shalt  }
0x71: {  	_ =	shalt  }
0x72: {  	_ =	shalt  }
0x73: {  	_ =	shalt  }
0x74: {  	_ =	shalt  }
0x75: {  	_ =	shalt  }
0x76: {  	_ =	shalt  }
0x77: {  	_ =	shalt  }
0x78: {  	_ =	shalt  }
0x79: {  	_ =	shalt  }
0x7a: {  	_ =	shalt  }
0x7b: {  	_ =	shalt  }
0x7c: {  	_ =	shalt  }
0x7d: {  	_ =	shalt  }
0x7e: {  	_ =	shalt  }
0x7f: {  	_ =	shalt  }
0x80: {  	_ =	shalt  }
0x81: {  	_ =	shalt  }
0x82: {  	_ =	shalt  }
0x83: {  	_ =	shalt  }
0x84: {  	_ =	shalt  }
0x85: {  	_ =	shalt  }
0x86: {  	_ =	shalt  }
0x87: {  	_ =	shalt  }
.Lfunc_end0:
.L_simem_size_0:
called_computation_lowered:
.L_overlay_start_0:
0x88: {  	s2 =	sld [smem:$0x3FD9]  }
0x89: {  	s3 =	sld [smem:$0x3FFE];
	_ =	sdelay $0x1  }
0x8a: {  	s1 =	srdreg.scid  }
0x8b: {  	s0 =	sand.u32 $0x1, s1  }
0x8c: {  	s17 =	sshll.u32 s0, $0xA;
	s2 =	sadd.s32 s3, s2  }
0x8d: {  	s2 =	sadd.s32 s2, s17  }
0x8e: {  	[smem:$0x3FBC] =	sst s2  }
0x8f: {  	_ = 	snop  }
0x90: {  	s2 =	sld [smem:$0x3FC9]  }
0x91: {  	s18 =	sld [smem:$0x3FC8]  }
0x92: {  	s4 =	sld [smem:$0x3FC7]  }
0x93: {  	s5 =	sld [smem:$0x3FC6]  }
0x94: {  	s6 =	sld [smem:$0x3FC5]  }
0x95: {  	s7 =	sld [smem:$0x3FC4]  }
0x96: {  	s8 =	sld [smem:$0x3FC3]  }
0x97: {  	s9 =	sld [smem:$0x3FC2];
	(tm) =	ssettm $0x1  }
0x98: {  	s10 =	sld [smem:$0x3FFB];
	_ =	sdelay $0x3  }
0x99: {  	_ =	strace s10  }
0x9a: {  	s10 =	sld [smem:$0x3FFC];
	_ =	sdelay $0x3  }
0x9b: {  	_ =	strace s10  }
0x9c: {  	s10 =	sld [smem:$0x3FFD];
	_ =	sdelay $0x3  }
0x9d: {  	_ =	strace s10  }
0x9e: {  	_ =	strace $0x8FFFFFFF  }
0x9f: {  	s19 =	sld [smem:$0x3FDB];
	_ =	sdelay $0x1  }
0xa0: {  	s11 =	simm.s32 $_scs_section_size  }
0xa1: {  	s12 =	simm.s32 $_size__tile_overlayer_lowered;
	s13 =	simm.s32 $_tile_overlayer_lowered  }
0xa2: {  	s22 =	simm.s32 $0x1BFF;
	s21 =	sshll.u32 s13, $0x1;
	s10 =	sadd.s32 s11, s19  }
0xa3: {  	s14 =	simm.s32 $0x0;
	s20 =	sshll.u32 s12, $0x1;
	s12 =	sadd.s32 s21, s10  }
0xa4: {  	[timem:s14], [sflag:s22] =	dma.local [hbm:s12], s20  }
0xa5: {  	_ =	swait.ge [sflag:s22], s20  }
0xa6: {  	s11 =	ssub.s32 $0x0, s20;
	[sflag:s22] =	ssyncset.done $0x0  }
0xa7: {  	[sflag:s22] =	ssyncadd.s32 s11;
	_ =	sdelay $0x1  }
0xa8: {  	s23 =	simm.s32 $0x1B8B  }
0xa9: {  	_ =	swait.ge [sflag:s23], $0x1  }
0xaa: {  	[sflag:s23] =	ssyncset.done $0x0  }
0xab: {  	s25 =	simm.s32 $0x1B8E;
	s24 =	sld [smem:$0x3FFE];
	[sflag:s23] =	ssyncadd.s32 $0xFFFFFFFF  }
0xac: {  	s26 =	simm.s32 $execute0_lowered;
	[smem:$0x3FD2] =	sst s25  }
0xad: {  	s12 =	sshll.u32 s26, $0x1;
	_ =	strace $0x80000046;
	[dreg:$0x1] =	wrdreg $0xFFFFFFFF  }
0xae: {  	s28 =	simm.s32 $_size_execute0_lowered;
	s10 =	sadd.s32 s10, s12;
	[dreg:$0x0] =	wrdreg $0x0  }
0xaf: {  	s12 =	sshll.u32 s28, $0x1;
	[dreg:$0x2] =	wrdreg s10  }
0xb0: {  	[dreg:$0x3] =	wrdreg s12  }
0xb1: {  	[dreg:$0x4] =	wrdreg $0xC0  }
0xb2: {  	_ =	task [dreg:s14], $0x5FFFF  }
0xb3: {  	[dreg:$0x1] =	wrdreg $0xFFFFFFFF  }
0xb4: {  	[dreg:$0x0] =	wrdreg $0x60  }
0xb5: {  	[dreg:$0x2] =	wrdreg s2  }
0xb6: {  	[dreg:$0x3] =	wrdreg s4  }
0xb7: {  	[dreg:$0x4] =	wrdreg s18  }
0xb8: {  	[dreg:$0x5] =	wrdreg s5  }
0xb9: {  	[dreg:$0x6] =	wrdreg s6  }
0xba: {  	[dreg:$0x7] =	wrdreg s7  }
0xbb: {  	[dreg:$0x8] =	wrdreg s8  }
0xbc: {  	[dreg:$0x9] =	wrdreg s9  }
0xbd: {  	[dreg:$0xa] =	wrdreg s24  }
0xbe: {  	[dreg:$0xb] =	wrdreg $0x9  }
0xbf: {  	_ =	task.clear_ibuf [dreg:s14], $0xCFFFF;
	_ =	strace $0x90000046  }
0xc0: {  	s29 =	simm.s32 $0x9;
	_ =	strace $0x80000048  }
0xc1: {  	_ =	swait.ge [sflag:s29], $0x1  }
0xc2: {  	[sflag:s29] =	ssyncadd.s32 $0xFFFFFFFF  }
0xc3: {  	_ =	strace $0x90000048  }
0xc4: {  	_ =	sfence  }
0xc5: {  	s30 =	sld [smem:$0x0];
	_ =	sdelay $0x2  }
0xc6: {  	s31 =	sshll.u32 s1, $0xD;
	s1 =	sshrl.u32 s1, $0x2  }
0xc7: {  	s3 =	sand.u32 $0x4000, s31;
	s1 =	sadd.s32 s1, s30  }
0xc8: {  	s0 =	sor.u32 s3, s0;
	s1 =	sshll.u32 s1, $0x11  }
0xc9: {  	s0 =	sor.u32 s1, s0  }
0xca: {  	s0 =	sadd.s32 $0x8F2B, s0  }
0xcb: {  	[sflag:s0] =	ssyncadd.remote.s32 $0x1  }
0xcc: {  	_ =	sfence.sel $0xFFFF  }
0xcd: {  	[dreg:$0x0] =	wrdreg $0xFFFFFFFF;
	(pc) =	sbr.abs _section_cstart, $3  }
0xce: {  	[dreg:$0x1] =	wrdreg $0xFFFFFFFF  }
0xcf: {  	_ =	task.clear_ibuf [dreg:s14], $0x2FFFF;
	_ =	strace $0x9FFFFFFF  }
0xd0: {  	(tm) =	ssettm $0x7FFFFFFF  }
0xd1: {  	_ =	shalt  }
tec
execute0_lowered:
.L_overlay_start_1:
0x0: {  	(tag) =	ssettag $0x1  }
0x1: {  	s0 =	rddreg [dreg:$0x0]  }
0x2: {  	s2 =	rddreg [dreg:$0x1]  }
0x3: {  	s3 =	rddreg [dreg:$0x2]  }
0x4: {  	s1 =	rddreg [dreg:$0x3]  }
0x5: {  	s31 =	rddreg [dreg:$0x4]  }
0x6: {  	s5 =	rddreg [dreg:$0x7]  }
0x7: {  	s4 =	rddreg [dreg:$0x8];
	s15 =	simm.s32 $0x0  }
0x8: {  	s6 =	srdreg.scid;
	s7 =	stileid.u32;
	s18 =	simm.s32 $0x20  }
0x9: {  	s23 =	simm.s32 $0xD600;
	s28 =	simm.s32 $0x13600;
	s29 =	simm.s32 $0x2  }
0xa: {  	[smem:$0x7FF] =	sst s15;
	s8 =	sadd.s32 $0x1600, s4;
	s9 =	sadd.s32 $0x101600, s4  }
0xb: {  	s6 =	sand.u32 $0x1, s6;
	s10 =	sadd.s32 $0x209600, s4;
	s7 =	sshll.u32 s7, $0xA  }
0xc: {  	s11 =	sadd.s32 $0x249600, s4;
	s16 =	sadd.s32 $0x100, s5;
	s12 =	sshll.u32 s6, $0x9  }
0xd: {  	_ =	strace $0x80000047;
	s6 =	ssub.s32 $0x2, s6;
	s12 =	sor.u32 s12, s7  }
0xe: {  	s13 =	sshrl.u32 s6, $0x1;
	s7 =	sshll.u32 s12, $0x1;
	s14 =	sshrl.u32 s12, $0x3  }
0xf: {  	s6 =	ssub.s32 s6, s13;
	s13 =	simm.s32 $0x1B600;
	s0 =	sadd.s32 s0, s14  }
0x10: {  	s4 =	sadd.s32 s7, s4;
	s24 =	sadd.s32 s2, s14;
	[dreg:$0xa] =	wrdreg s0  }
0x11: {  	s25 =	sadd.s32 s3, s14;
	s30 =	smax.u32 s6, $0x1;
	[dreg:$0xb] =	wrdreg s24  }
0x12: {  	s3 =	simm.s32 $0x5;
	s14 =	simm.s32 $0x3;
	[dreg:$0xc] =	wrdreg s25  }
0x13: {  	v2 =	vlaneseq.u32;
	s7 =	simm.s32 $0x4;
	s26 =	sadd.s32 $0x201600, s4;
	[dreg:$0xe] =	wrdreg s30  }
0x14: {  	vm0 =	vmmov $0xffff;
	v1 =	vshrl.u32 v2, $0x3;
	s24 =	simm.s32 $0xE600;
	s25 =	simm.s32 $0x1;
	s0 =	simm.s32 $0x1A600  }
0x15: {  	v0 =	vand.u32 $0x7, v2;
	v2 =	vor.u32 $0x8, v2;
	v1 =	vmul.u32 $0x8, v1;
	s4 =	simm.s32 $0x0;
	[dreg:$0xd] =	wrdreg s26;
	s26 =	simm.s32 $0x2600  }
.LBB2_1:
0x16: {  	[dreg:$0xf] =	wrdreg s4  }
0x17: {  	s2 =	rddreg [dreg:$0xa]  }
0x18: {  	[tilespmem:s15], [sflag:$0x5] =	stream.linear.gather [hbm4b:s2+s15], $0x200, $0x38;
	[tilespmem:$0x1C600] =	vst v63  }
0x19: {  	_ =	swait.ge [sflag:s3], $0x200  }
0x1a: {  	[sflag:s3] =	ssyncset.done $0x0  }
0x1b: {  	s4 =	simm.s32 $0x200;
	s19 =	rddreg [dreg:$0xb];
	[sflag:s3] =	ssyncadd.s32 $0xFFFFFE00  }
0x1c: {  	[tilespmem:s4], [sflag:$0x5] =	stream.linear.gather [hbm4b:s19+s15], $0x200, $0x38;
	[tilespmem:$0x1C600] =	vst v63  }
0x1d: {  	_ =	swait.ge [sflag:s3], $0x200  }
0x1e: {  	[sflag:s3] =	ssyncset.done $0x0  }
0x1f: {  	s6 =	simm.s32 $0x400;
	s20 =	rddreg [dreg:$0xc];
	[sflag:s3] =	ssyncadd.s32 $0xFFFFFE00  }
0x20: {  	[tilespmem:s6], [sflag:$0x5] =	stream.linear.gather [hbm4b:s20+s15], $0x200, $0x38;
	[tilespmem:$0x1C600] =	vst v63  }
0x21: {  	_ =	swait.ge [sflag:s3], $0x200  }
0x22: {  	[sflag:s3] =	ssyncset.done $0x0  }
0x23: {  	[sflag:s3] =	ssyncadd.s32 $0xFFFFFE00  }
0x24: {  	v3 =	vld [tilespmem:$0x0];
	_ =	sdelay $0x4  }
0x25: {  	v4 =	vshll.u32 v3, $0x2  }
0x26: {  	v3 =	vand.u32 $0x7, v3;
	v4 =	vand.u32 $0xFFFFFFE0, v4  }
0x27: {  	v3 =	vor.u32 v3, v4  }
0x28: {  	v4 =	vperm.xlane v3, v0;
	_ =	sdelay $0x1  }
0x29: {  	v4 =	vadd.s32 v1, v4;
	_ =	sdelay $0x1  }
0x2a: {  	v3 =	vperm.xlane v3, v2;
	_ =	sdelay $0x1  }
0x2b: {  	v3 =	vadd.s32 v1, v3  }
0x2c: {  	[tilespmem:s26], [sflag:$0x1] =	stream.indirect_vreg.gather [hbm4b:s5+s15], $0x80, v4, vm0, $0xb8;
	[tilespmem:$0x1C600] =	vst v63  }
0x2d: {  	s21 =	simm.s32 $0x2E00  }
0x2e: {  	[tilespmem:s21], [sflag:$0x1] =	stream.indirect_vreg.gather [hbm4b:s16+s15], $0x80, v4, vm0, $0xb8;
	[tilespmem:$0x1C600] =	vst v63  }
0x2f: {  	s22 =	simm.s32 $0x3600  }
0x30: {  	[tilespmem:s22], [sflag:$0x1] =	stream.indirect_vreg.gather [hbm4b:s5+s15], $0x80, v3, vm0, $0xb8;
	[tilespmem:$0x1C600] =	vst v63  }
0x31: {  	s3 =	simm.s32 $0x3E00  }
0x32: {  	[tilespmem:s3], [sflag:$0x1] =	stream.indirect_vreg.gather [hbm4b:s16+s15], $0x80, v3, vm0, $0xb8;
	[tilespmem:$0x1C600] =	vst v63  }
0x33: {  	v3 =	vld [tilespmem:$0x10];
	_ =	sdelay $0x4  }
0x34: {  	v61 =	vshll.u32 v3, $0x2  }
0x35: {  	v3 =	vand.u32 $0x7, v3;
	v4 =	vand.u32 $0xFFFFFFE0, v61  }
0x36: {  	v3 =	vor.u32 v3, v4  }
0x37: {  	v4 =	vperm.xlane v3, v0;
	_ =	sdelay $0x1  }
0x38: {  	v4 =	vadd.s32 v1, v4;
	_ =	sdelay $0x1  }
0x39: {  	v3 =	vperm.xlane v3, v2;
	_ =	sdelay $0x1  }
0x3a: {  	s17 =	simm.s32 $0x4600;
	v3 =	vadd.s32 v1, v3  }
0x3b: {  	[tilespmem:s17], [sflag:$0x1] =	stream.indirect_vreg.gather [hbm4b:s5+s15], $0x80, v4, vm0, $0xb8;
	[tilespmem:$0x1C600] =	vst v63  }
0x3c: {  	s19 =	simm.s32 $0x4E00  }
0x3d: {  	[tilespmem:s19], [sflag:$0x1] =	stream.indirect_vreg.gather [hbm4b:s16+s15], $0x80, v4, vm0, $0xb8;
	[tilespmem:$0x1C600] =	vst v63  }
0x3e: {  	s20 =	simm.s32 $0x5600  }
0x3f: {  	[tilespmem:s20], [sflag:$0x1] =	stream.indirect_vreg.gather [hbm4b:s5+s15], $0x80, v3, vm0, $0xb8;
	[tilespmem:$0x1C600] =	vst v63  }
0x40: {  	s21 =	simm.s32 $0x5E00  }
0x41: {  	[tilespmem:s21], [sflag:$0x1] =	stream.indirect_vreg.gather [hbm4b:s16+s15], $0x80, v3, vm0, $0xb8;
	[tilespmem:$0x1C600] =	vst v63  }
0x42: {  	v3 =	vld [tilespmem:$0x200];
	_ =	sdelay $0x4  }
0x43: {  	v62 =	vshll.u32 v3, $0x2  }
0x44: {  	v3 =	vand.u32 $0x7, v3;
	v4 =	vand.u32 $0xFFFFFFE0, v62  }
0x45: {  	v3 =	vor.u32 v3, v4  }
0x46: {  	v4 =	vperm.xlane v3, v0;
	_ =	sdelay $0x1  }
0x47: {  	v4 =	vadd.s32 v1, v4;
	_ =	sdelay $0x1  }
0x48: {  	v3 =	vperm.xlane v3, v2;
	_ =	sdelay $0x1  }
0x49: {  	s22 =	simm.s32 $0x6600;
	v3 =	vadd.s32 v1, v3  }
0x4a: {  	[tilespmem:s22], [sflag:$0x1] =	stream.indirect_vreg.gather [hbm4b:s5+s15], $0x80, v4, vm0, $0xb8;
	[tilespmem:$0x1C600] =	vst v63  }
0x4b: {  	s3 =	simm.s32 $0x6E00  }
0x4c: {  	[tilespmem:s3], [sflag:$0x1] =	stream.indirect_vreg.gather [hbm4b:s16+s15], $0x80, v4, vm0, $0xb8;
	[tilespmem:$0x1C600] =	vst v63  }
0x4d: {  	s17 =	simm.s32 $0x7600  }
0x4e: {  	[tilespmem:s17], [sflag:$0x1] =	stream.indirect_vreg.gather [hbm4b:s5+s15], $0x80, v3, vm0, $0xb8;
	[tilespmem:$0x1C600] =	vst v63  }
0x4f: {  	s19 =	simm.s32 $0x7E00  }
0x50: {  	[tilespmem:s19], [sflag:$0x1] =	stream.indirect_vreg.gather [hbm4b:s16+s15], $0x80, v3, vm0, $0xb8;
	[tilespmem:$0x1C600] =	vst v63  }
0x51: {  	v3 =	vld [tilespmem:$0x210];
	_ =	sdelay $0x4  }
0x52: {  	v63 =	vshll.u32 v3, $0x2  }
0x53: {  	v3 =	vand.u32 $0x7, v3;
	v4 =	vand.u32 $0xFFFFFFE0, v63  }
0x54: {  	v3 =	vor.u32 v3, v4  }
0x55: {  	v4 =	vperm.xlane v3, v0;
	_ =	sdelay $0x1  }
0x56: {  	v4 =	vadd.s32 v1, v4;
	_ =	sdelay $0x1  }
0x57: {  	v3 =	vperm.xlane v3, v2;
	_ =	sdelay $0x1  }
0x58: {  	s20 =	simm.s32 $0x8600;
	v3 =	vadd.s32 v1, v3  }
0x59: {  	[tilespmem:s20], [sflag:$0x1] =	stream.indirect_vreg.gather [hbm4b:s5+s15], $0x80, v4, vm0, $0xb8;
	[tilespmem:$0x1C600] =	vst v63  }
0x5a: {  	s21 =	simm.s32 $0x8E00  }
0x5b: {  	[tilespmem:s21], [sflag:$0x1] =	stream.indirect_vreg.gather [hbm4b:s16+s15], $0x80, v4, vm0, $0xb8;
	[tilespmem:$0x1C600] =	vst v63  }
0x5c: {  	s22 =	simm.s32 $0x9600  }
0x5d: {  	[tilespmem:s22], [sflag:$0x1] =	stream.indirect_vreg.gather [hbm4b:s5+s15], $0x80, v3, vm0, $0xb8;
	[tilespmem:$0x1C600] =	vst v63  }
0x5e: {  	s3 =	simm.s32 $0x9E00  }
0x5f: {  	[tilespmem:s3], [sflag:$0x1] =	stream.indirect_vreg.gather [hbm4b:s16+s15], $0x80, v3, vm0, $0xb8;
	[tilespmem:$0x1C600] =	vst v63  }
0x60: {  	s17 =	simm.s32 $0xA600  }
0x61: {  	[tilespmem:s17], [sflag:$0x1] =	stream.indirect.gather [hbm4b:s1+s18], $0x80, s15, s18, $0xb8;
	[tilespmem:$0x1C600] =	vst v63  }
0x62: {  	s19 =	simm.s32 $0xB600  }
0x63: {  	[tilespmem:s19], [sflag:$0x1] =	stream.indirect.gather [hbm4b:s1+s18], $0x80, s4, s18, $0xb8;
	[tilespmem:$0x1C600] =	vst v63  }
0x64: {  	s20 =	simm.s32 $0xC600;
	s21 =	rddreg [dreg:$0x5]  }
0x65: {  	[tilespmem:s20], [sflag:$0x1] =	stream.indirect.gather [hbm4b:s31+s18], $0x80, s6, s18, $0xb8;
	[tilespmem:$0x1C600] =	vst v63  }
0x66: {  	s30 =	simm.s32 $0x0;
	s22 =	rddreg [dreg:$0x6]  }
0x67: {  	[tilespmem:s23], [sflag:$0x1] =	stream.indirect.gather [hbm4b:s21+s18], $0x80, s6, s18, $0xb8;
	[tilespmem:$0x1C600] =	vst v63  }
0x68: {  	s15 =	simm.s32 $0x800;
	s17 =	simm.s32 $0x0;
	s20 =	simm.s32 $0x0  }
0x69: {  	[tilespmem:s24], [sflag:$0x1] =	stream.indirect.gather [hbm4b:s22+s18], $0x80, s6, s18, $0xb8;
	[tilespmem:$0x1C600] =	vst v63  }
.LBB2_2:
0x6a: {  	_ =	swait.ge [sflag:s25], $0x4000  }
0x6b: {  	[sflag:s25] =	ssyncset.done $0x0  }
0x6c: {  	[sflag:s25] =	ssyncadd.s32 $0xFFFFC000  }
0x6d: {  	_ =	swait.ge [sflag:s25], $0x4000  }
0x6e: {  	[sflag:s25] =	ssyncset.done $0x0  }
0x6f: {  	[sflag:s25] =	ssyncadd.s32 $0xFFFFC000  }
0x70: {  	_ =	swait.ge [sflag:s25], $0x1000  }
0x71: {  	[sflag:s25] =	ssyncset.done $0x0  }
0x72: {  	[sflag:s25] =	ssyncadd.s32 $0xFFFFF000  }
0x73: {  	_ =	swait.ge [sflag:s25], $0x1000  }
0x74: {  	[sflag:s25] =	ssyncset.done $0x0  }
0x75: {  	[sflag:s25] =	ssyncadd.s32 $0xFFFFF000  }
0x76: {  	_ =	swait.ge [sflag:s25], $0x1000  }
0x77: {  	[sflag:s25] =	ssyncset.done $0x0  }
0x78: {  	[sflag:s25] =	ssyncadd.s32 $0xFFFFF000  }
0x79: {  	_ =	swait.ge [sflag:s25], $0x1000  }
0x7a: {  	[sflag:s25] =	ssyncset.done $0x0  }
0x7b: {  	s2 =	sshll.u32 s20, $0x6;
	[sflag:s25] =	ssyncadd.s32 $0xFFFFF000  }
0x7c: {  	s3 =	sor.u32 s12, s2;
	_ =	swait.ge [sflag:s25], $0x1000  }
0x7d: {  	s4 =	sshll.u32 s3, $0x6;
	[sflag:s25] =	ssyncset.done $0x0  }
0x7e: {  	s21 =	simm.s32 $0x0;
	s6 =	sadd.s32 s8, s4;
	[sflag:s25] =	ssyncadd.s32 $0xFFFFF000  }
0x7f: {  	[hbm4b:s6+s21] =	stream.linear.scatter [tilespmem:s26], [sflag:$0x3], $0x4000, $0x38;
	[tilespmem:$0x1C600] =	vst v63  }
0x80: {  	s19 =	simm.s32 $0x6600;
	s3 =	sshll.u32 s3, $0x4;
	s4 =	sadd.s32 s9, s4  }
0x81: {  	[hbm4b:s4+s21] =	stream.linear.scatter [tilespmem:s19], [sflag:$0x3], $0x4000, $0x38;
	[tilespmem:$0x1C600] =	vst v63  }
0x82: {  	s22 =	sadd.s32 s10, s3  }
0x83: {  	[hbm4b:s22+s21] =	stream.linear.scatter [tilespmem:s23], [sflag:$0x3], $0x1000, $0x38;
	[tilespmem:$0x1C600] =	vst v63  }
0x84: {  	s3 =	sadd.s32 s11, s3  }
0x85: {  	[hbm4b:s3+s21] =	stream.linear.scatter [tilespmem:s24], [sflag:$0x3], $0x1000, $0x38;
	[tilespmem:$0x1C600] =	vst v63  }
0x86: {  	v3 =	vld [tilespmem:s2+$0x20];
	_ =	sdelay $0x4  }
0x87: {  	v4 =	vshll.u32 v3, $0x2  }
0x88: {  	v3 =	vand.u32 $0x7, v3;
	v4 =	vand.u32 $0xFFFFFFE0, v4  }
0x89: {  	v3 =	vor.u32 v3, v4  }
0x8a: {  	v4 =	vperm.xlane v3, v0;
	_ =	sdelay $0x1  }
0x8b: {  	v4 =	vadd.s32 v1, v4;
	_ =	sdelay $0x1  }
0x8c: {  	v3 =	vperm.xlane v3, v2;
	_ =	sdelay $0x1  }
0x8d: {  	s6 =	simm.s32 $0xF600;
	v3 =	vadd.s32 v1, v3  }
0x8e: {  	[tilespmem:s6], [sflag:$0x2] =	stream.indirect_vreg.gather [hbm4b:s5+s21], $0x80, v4, vm0, $0xb8;
	[tilespmem:$0x1C600] =	vst v63  }
0x8f: {  	s19 =	simm.s32 $0xFE00  }
0x90: {  	[tilespmem:s19], [sflag:$0x2] =	stream.indirect_vreg.gather [hbm4b:s16+s21], $0x80, v4, vm0, $0xb8;
	[tilespmem:$0x1C600] =	vst v63  }
0x91: {  	s22 =	simm.s32 $0x10600  }
0x92: {  	[tilespmem:s22], [sflag:$0x2] =	stream.indirect_vreg.gather [hbm4b:s5+s21], $0x80, v3, vm0, $0xb8;
	[tilespmem:$0x1C600] =	vst v63  }
0x93: {  	s4 =	simm.s32 $0x10E00  }
0x94: {  	[tilespmem:s4], [sflag:$0x2] =	stream.indirect_vreg.gather [hbm4b:s16+s21], $0x80, v3, vm0, $0xb8;
	[tilespmem:$0x1C600] =	vst v63  }
0x95: {  	v3 =	vld [tilespmem:s2+$0x30];
	_ =	sdelay $0x4  }
0x96: {  	v4 =	vshll.u32 v3, $0x2  }
0x97: {  	v3 =	vand.u32 $0x7, v3;
	v4 =	vand.u32 $0xFFFFFFE0, v4  }
0x98: {  	v3 =	vor.u32 v3, v4  }
0x99: {  	v4 =	vperm.xlane v3, v0;
	_ =	sdelay $0x1  }
0x9a: {  	v4 =	vadd.s32 v1, v4;
	_ =	sdelay $0x1  }
0x9b: {  	v3 =	vperm.xlane v3, v2;
	_ =	sdelay $0x1  }
0x9c: {  	s6 =	simm.s32 $0x11600;
	v3 =	vadd.s32 v1, v3  }
0x9d: {  	[tilespmem:s6], [sflag:$0x2] =	stream.indirect_vreg.gather [hbm4b:s5+s21], $0x80, v4, vm0, $0xb8;
	[tilespmem:$0x1C600] =	vst v63  }
0x9e: {  	s19 =	simm.s32 $0x11E00  }
0x9f: {  	[tilespmem:s19], [sflag:$0x2] =	stream.indirect_vreg.gather [hbm4b:s16+s21], $0x80, v4, vm0, $0xb8;
	[tilespmem:$0x1C600] =	vst v63  }
0xa0: {  	s22 =	simm.s32 $0x12600  }
0xa1: {  	[tilespmem:s22], [sflag:$0x2] =	stream.indirect_vreg.gather [hbm4b:s5+s21], $0x80, v3, vm0, $0xb8;
	[tilespmem:$0x1C600] =	vst v63  }
0xa2: {  	s4 =	simm.s32 $0x12E00  }
0xa3: {  	[tilespmem:s4], [sflag:$0x2] =	stream.indirect_vreg.gather [hbm4b:s16+s21], $0x80, v3, vm0, $0xb8;
	[tilespmem:$0x1C600] =	vst v63  }
0xa4: {  	v3 =	vld [tilespmem:s2+$0x220];
	_ =	sdelay $0x4  }
0xa5: {  	v4 =	vshll.u32 v3, $0x2  }
0xa6: {  	v3 =	vand.u32 $0x7, v3;
	v4 =	vand.u32 $0xFFFFFFE0, v4  }
0xa7: {  	v3 =	vor.u32 v3, v4  }
0xa8: {  	v4 =	vperm.xlane v3, v0;
	_ =	sdelay $0x1  }
0xa9: {  	v4 =	vadd.s32 v1, v4;
	_ =	sdelay $0x1  }
0xaa: {  	v3 =	vperm.xlane v3, v2;
	_ =	sdelay $0x1  }
0xab: {  	v3 =	vadd.s32 v1, v3  }
0xac: {  	[tilespmem:s28], [sflag:$0x2] =	stream.indirect_vreg.gather [hbm4b:s5+s21], $0x80, v4, vm0, $0xb8;
	[tilespmem:$0x1C600] =	vst v63  }
0xad: {  	s6 =	simm.s32 $0x13E00  }
0xae: {  	[tilespmem:s6], [sflag:$0x2] =	stream.indirect_vreg.gather [hbm4b:s16+s21], $0x80, v4, vm0, $0xb8;
	[tilespmem:$0x1C600] =	vst v63  }
0xaf: {  	s19 =	simm.s32 $0x14600  }
0xb0: {  	[tilespmem:s19], [sflag:$0x2] =	stream.indirect_vreg.gather [hbm4b:s5+s21], $0x80, v3, vm0, $0xb8;
	[tilespmem:$0x1C600] =	vst v63  }
0xb1: {  	s22 =	simm.s32 $0x14E00  }
0xb2: {  	[tilespmem:s22], [sflag:$0x2] =	stream.indirect_vreg.gather [hbm4b:s16+s21], $0x80, v3, vm0, $0xb8;
	[tilespmem:$0x1C600] =	vst v63  }
0xb3: {  	v3 =	vld [tilespmem:s2+$0x230];
	_ =	sdelay $0x4  }
0xb4: {  	v4 =	vshll.u32 v3, $0x2  }
0xb5: {  	v3 =	vand.u32 $0x7, v3;
	v4 =	vand.u32 $0xFFFFFFE0, v4  }
0xb6: {  	v3 =	vor.u32 v3, v4  }
0xb7: {  	v4 =	vperm.xlane v3, v0;
	_ =	sdelay $0x1  }
0xb8: {  	v4 =	vadd.s32 v1, v4;
	_ =	sdelay $0x1  }
0xb9: {  	v3 =	vperm.xlane v3, v2;
	_ =	sdelay $0x1  }
0xba: {  	s4 =	simm.s32 $0x15600;
	v3 =	vadd.s32 v1, v3  }
0xbb: {  	[tilespmem:s4], [sflag:$0x2] =	stream.indirect_vreg.gather [hbm4b:s5+s21], $0x80, v4, vm0, $0xb8;
	[tilespmem:$0x1C600] =	vst v63  }
0xbc: {  	s6 =	simm.s32 $0x15E00  }
0xbd: {  	[tilespmem:s6], [sflag:$0x2] =	stream.indirect_vreg.gather [hbm4b:s16+s21], $0x80, v4, vm0, $0xb8;
	[tilespmem:$0x1C600] =	vst v63  }
0xbe: {  	s19 =	simm.s32 $0x16600  }
0xbf: {  	[tilespmem:s19], [sflag:$0x2] =	stream.indirect_vreg.gather [hbm4b:s5+s21], $0x80, v3, vm0, $0xb8;
	[tilespmem:$0x1C600] =	vst v63  }
0xc0: {  	s22 =	simm.s32 $0x16E00  }
0xc1: {  	[tilespmem:s22], [sflag:$0x2] =	stream.indirect_vreg.gather [hbm4b:s16+s21], $0x80, v3, vm0, $0xb8;
	[tilespmem:$0x1C600] =	vst v63  }
0xc2: {  	s4 =	simm.s32 $0x17600;
	s19 =	sor.u32 $0x20, s2  }
0xc3: {  	[tilespmem:s4], [sflag:$0x2] =	stream.indirect.gather [hbm4b:s1+s18], $0x80, s19, s18, $0xb8;
	[tilespmem:$0x1C600] =	vst v63  }
0xc4: {  	s6 =	sadd.s32 $0x220, s2;
	s22 =	simm.s32 $0x18600  }
0xc5: {  	[tilespmem:s22], [sflag:$0x2] =	stream.indirect.gather [hbm4b:s1+s18], $0x80, s6, s18, $0xb8;
	[tilespmem:$0x1C600] =	vst v63  }
0xc6: {  	s2 =	sadd.s32 $0x420, s2;
	s4 =	simm.s32 $0x19600  }
0xc7: {  	[tilespmem:s4], [sflag:$0x2] =	stream.indirect.gather [hbm4b:s31+s18], $0x80, s2, s18, $0xb8;
	[tilespmem:$0x1C600] =	vst v63  }
0xc8: {  	s6 =	rddreg [dreg:$0x5]  }
0xc9: {  	[tilespmem:s0], [sflag:$0x2] =	stream.indirect.gather [hbm4b:s6+s18], $0x80, s2, s18, $0xb8;
	[tilespmem:$0x1C600] =	vst v63  }
0xca: {  	s3 =	simm.s32 $0x0;
	s22 =	rddreg [dreg:$0x6]  }
0xcb: {  	[tilespmem:s13], [sflag:$0x2] =	stream.indirect.gather [hbm4b:s22+s18], $0x80, s2, s18, $0xb8;
	[tilespmem:$0x1C600] =	vst v63  }
0xcc: {  	v3 =	vld [tilespmem:s3+$0xB660]  }
0xcd: {  	v4 =	vld [tilespmem:s3+$0xB650]  }
0xce: {  	v5 =	vld [tilespmem:s3+$0xB640]  }
0xcf: {  	v6 =	vld [tilespmem:s3+$0xB630]  }
0xd0: {  	v7 =	vld [tilespmem:s3+$0xB620]  }
0xd1: {  	v8 =	vld [tilespmem:s3+$0xB610]  }
0xd2: {  	v9 =	vld [tilespmem:s3+$0xB600]  }
0xd3: {  	v10 =	vld [tilespmem:s3+$0xC600]  }
0xd4: {  	v11 =	vld [tilespmem:s3+$0xA600]  }
0xd5: {  	v12 =	vld [tilespmem:s3+$0xA610]  }
0xd6: {  	v13 =	vld [tilespmem:s3+$0xC610]  }
0xd7: {  	v14 =	vld [tilespmem:s3+$0xA620]  }
0xd8: {  	v15 =	vld [tilespmem:s3+$0xC620]  }
0xd9: {  	v16 =	vld [tilespmem:s3+$0xC630];
	v10 =	vmul.f32 v10, v11  }
0xda: {  	v11 =	vld [tilespmem:s3+$0xA630]  }
0xdb: {  	v59 =	vld [tilespmem:s3+$0xA640];
	v9 =	vmul.f32 v9, v10;
	v10 =	vmul.f32 v13, v12  }
0xdc: {  	v60 =	vld [tilespmem:s3+$0xC640]  }
0xdd: {  	v61 =	vld [tilespmem:s3+$0xA650];
	v9 =	vadd.f32 $0.0e+00, v9;
	v8 =	vmul.f32 v8, v10;
	v10 =	vmul.f32 v15, v14  }
0xde: {  	v62 =	vld [tilespmem:s3+$0xC650]  }
0xdf: {  	v8 =	vadd.f32 v8, v9;
	v7 =	vmul.f32 v7, v10;
	v9 =	vmul.f32 v16, v11;
	v10 =	vld [tilespmem:s3+$0xA660]  }
0xe0: {  	v11 =	vld [tilespmem:s3+$0xC660]  }
0xe1: {  	v63 =	vld [tilespmem:s3+$0xC670];
	v7 =	vadd.f32 v7, v8;
	v6 =	vmul.f32 v6, v9;
	v8 =	vmul.f32 v60, v59  }
0xe2: {  	v9 =	vld [tilespmem:s3+$0xA670]  }
0xe3: {  	v6 =	vadd.f32 v6, v7;
	v5 =	vmul.f32 v5, v8;
	v7 =	vmul.f32 v62, v61  }
0xe4: {  	s4 =	sand.u32 $0x7, s21;
	v8 =	vld [tilespmem:s3+$0xB670]  }
0xe5: {  	p0 =	seq.s32 s17, $0x0;
	p1 =	sne.s32 s4, $0x0;
	v5 =	vadd.f32 v5, v6;
	v4 =	vmul.f32 v4, v7;
	v6 =	vmul.f32 v11, v10  }
0xe6: {  	p0 =	por !p0, !p1  }
0xe7: {  	s6 =	sadd.s32 $0x0, s30;
	p0 =	por !p0, !p0;
	s3 =	simm.s32 $0x1;
	v4 =	vadd.f32 v4, v5;
	v3 =	vmul.f32 v3, v6;
	v5 =	vmul.f32 v63, v9  }
0xe8: {  	s2 =	sshrl.u32 s6, $0x3;
	s3 =	simm.s32 @!p0 $0x0  }
0xe9: {  	s2 =	ssub.s32 s2, s3;
	v3 =	vadd.f32 v3, v4;
	v4 =	vmul.f32 v8, v5  }
0xea: {  	s2 =	sshll.u32 s2, $0x9  }
0xeb: {  	s22 =	sand.u32 $0x70, s21;
	s2 =	sshra.s32 s2, $0x2;
	v3 =	vadd.f32 v4, v3  }
0xec: {  	s2 =	sor.u32 s22, s2  }
0xed: {  	s3 =	simm.s32 $0x80;
	[tilespmem:s2+$0x600] =	vst v3  }
0xee: {  	v3 =	vld [tilespmem:s3+$0xB660]  }
0xef: {  	v4 =	vld [tilespmem:s3+$0xB650]  }
0xf0: {  	v5 =	vld [tilespmem:s3+$0xB640]  }
0xf1: {  	v6 =	vld [tilespmem:s3+$0xB630]  }
0xf2: {  	v7 =	vld [tilespmem:s3+$0xB620]  }
0xf3: {  	v8 =	vld [tilespmem:s3+$0xB610]  }
0xf4: {  	v9 =	vld [tilespmem:s3+$0xB600]  }
0xf5: {  	s4 =	simm.s32 $0x400;
	s6 =	simm.s32 $0x0;
	s2 =	simm.s32 $0x200;
	v10 =	vld [tilespmem:s3+$0xC600]  }
.LBB2_3:
0xf6: {  	p0 =	sne.s32 s4, $0x3E00;
	v11 =	vld [tilespmem:s3+$0xA600]  }
0xf7: {  	v12 =	vld [tilespmem:s3+$0xA610]  }
0xf8: {  	v13 =	vld [tilespmem:s3+$0xC610]  }
0xf9: {  	v14 =	vld [tilespmem:s3+$0xA620]  }
0xfa: {  	v15 =	vld [tilespmem:s3+$0xC620]  }
0xfb: {  	v10 =	vmul.f32 v10, v11;
	v11 =	vld [tilespmem:s3+$0xA630]  }
0xfc: {  	v16 =	vld [tilespmem:s3+$0xC630]  }
0xfd: {  	v9 =	vmul.f32 v9, v10;
	v10 =	vmul.f32 v13, v12;
	v12 =	vld [tilespmem:s3+$0xA640]  }
0xfe: {  	v13 =	vld [tilespmem:s3+$0xC640]  }
0xff: {  	v9 =	vadd.f32 $0.0e+00, v9;
	v8 =	vmul.f32 v8, v10;
	v10 =	vmul.f32 v15, v14;
	v14 =	vld [tilespmem:s3+$0xA650]  }
0x100: {  	v15 =	vld [tilespmem:s3+$0xC650]  }
0x101: {  	v8 =	vadd.f32 v8, v9;
	v7 =	vmul.f32 v7, v10;
	v9 =	vmul.f32 v16, v11;
	v10 =	vld [tilespmem:s3+$0xA660]  }
0x102: {  	v11 =	vld [tilespmem:s3+$0xC660]  }
0x103: {  	v7 =	vadd.f32 v7, v8;
	v6 =	vmul.f32 v6, v9;
	v8 =	vmul.f32 v13, v12;
	v9 =	vld [tilespmem:s3+$0xA670]  }
0x104: {  	v12 =	vld [tilespmem:s3+$0xC670]  }
0x105: {  	s21 =	sadd.s32 $0x1, s21;
	v6 =	vadd.f32 v6, v7;
	v5 =	vmul.f32 v5, v8;
	v7 =	vmul.f32 v15, v14  }
0x106: {  	v8 =	vld [tilespmem:s3+$0xB670];
	s3 =	sand.u32 $0x7, s21  }
0x107: {  	p1 =	seq.s32 s17, s2;
	s2 =	smov.u32 s4;
	v5 =	vadd.f32 v5, v6;
	v4 =	vmul.f32 v4, v7;
	v6 =	vmul.f32 v11, v10;
	p2 =	sne.s32 s3, $0x0  }
0x108: {  	p1 =	por !p1, !p2  }
0x109: {  	s22 =	simm.s32 $0x1;
	s3 =	sadd.s32 s21, s30;
	v4 =	vadd.f32 v4, v5;
	v3 =	vmul.f32 v3, v6;
	v5 =	vmul.f32 v12, v9;
	p1 =	por !p1, !p1  }
0x10a: {  	s3 =	sshrl.u32 s3, $0x3;
	s22 =	simm.s32 @!p1 $0x0  }
0x10b: {  	v3 =	vadd.f32 v3, v4;
	v4 =	vmul.f32 v8, v5;
	s3 =	ssub.s32 s3, s22  }
0x10c: {  	s6 =	sadd.s32 $0x10, s6;
	s3 =	sshll.u32 s3, $0x9  }
0x10d: {  	s22 =	sand.u32 $0x70, s6;
	v3 =	vadd.f32 v4, v3;
	s3 =	sshra.s32 s3, $0x2  }
0x10e: {  	s22 =	sor.u32 s22, s3  }
0x10f: {  	s3 =	sshra.s32 s4, $0x2;
	[tilespmem:s22+$0x600] =	vst v3  }
0x110: {  	v3 =	vld [tilespmem:s3+$0xB660]  }
0x111: {  	v4 =	vld [tilespmem:s3+$0xB650]  }
0x112: {  	v5 =	vld [tilespmem:s3+$0xB640]  }
.Ltmp0:
0x113: {  	v6 =	vld [tilespmem:s3+$0xB630];
	(pc) =	sbr.rel @p0 .LBB2_3-.Ltmp0, $4  }
0x114: {  	v7 =	vld [tilespmem:s3+$0xB620]  }
0x115: {  	v8 =	vld [tilespmem:s3+$0xB610]  }
0x116: {  	v9 =	vld [tilespmem:s3+$0xB600]  }
0x117: {  	s4 =	sadd.s32 $0x200, s4;
	v10 =	vld [tilespmem:s3+$0xC600]  }
0x118: {  	v11 =	vld [tilespmem:s3+$0xA600]  }
0x119: {  	v12 =	vld [tilespmem:s3+$0xA610]  }
0x11a: {  	v13 =	vld [tilespmem:s3+$0xC610]  }
0x11b: {  	v14 =	vld [tilespmem:s3+$0xA620]  }
0x11c: {  	v15 =	vld [tilespmem:s3+$0xC620]  }
0x11d: {  	v16 =	vld [tilespmem:s3+$0xC630];
	v10 =	vmul.f32 v10, v11  }
0x11e: {  	v11 =	vld [tilespmem:s3+$0xA630]  }
0x11f: {  	v49 =	vld [tilespmem:s3+$0xA640];
	v9 =	vmul.f32 v9, v10;
	v10 =	vmul.f32 v13, v12  }
0x120: {  	v50 =	vld [tilespmem:s3+$0xC640]  }
0x121: {  	v51 =	vld [tilespmem:s3+$0xA650];
	v9 =	vadd.f32 $0.0e+00, v9;
	v8 =	vmul.f32 v8, v10;
	v10 =	vmul.f32 v15, v14  }
0x122: {  	v52 =	vld [tilespmem:s3+$0xC650]  }
0x123: {  	v8 =	vadd.f32 v8, v9;
	v7 =	vmul.f32 v7, v10;
	v9 =	vmul.f32 v16, v11;
	v10 =	vld [tilespmem:s3+$0xA660]  }
0x124: {  	v11 =	vld [tilespmem:s3+$0xC660]  }
0x125: {  	v53 =	vld [tilespmem:s3+$0xC670];
	v7 =	vadd.f32 v7, v8;
	v6 =	vmul.f32 v6, v9;
	v8 =	vmul.f32 v50, v49  }
0x126: {  	v9 =	vld [tilespmem:s3+$0xA670]  }
0x127: {  	s4 =	sadd.s32 $0x1, s21;
	v6 =	vadd.f32 v6, v7;
	v5 =	vmul.f32 v5, v8;
	v7 =	vmul.f32 v52, v51  }
0x128: {  	s22 =	sand.u32 $0x7, s4;
	v8 =	vld [tilespmem:s3+$0xB670]  }
0x129: {  	p0 =	seq.s32 s17, s2;
	p1 =	sne.s32 s22, $0x0;
	v5 =	vadd.f32 v5, v6;
	v4 =	vmul.f32 v4, v7;
	v6 =	vmul.f32 v11, v10  }
0x12a: {  	p0 =	por !p0, !p1  }
0x12b: {  	s4 =	sadd.s32 s4, s30;
	p0 =	por !p0, !p0;
	s3 =	simm.s32 $0x1;
	v4 =	vadd.f32 v4, v5;
	v3 =	vmul.f32 v3, v6;
	v5 =	vmul.f32 v53, v9  }
0x12c: {  	s2 =	sshrl.u32 s4, $0x3;
	s3 =	simm.s32 @!p0 $0x0  }
0x12d: {  	s2 =	ssub.s32 s2, s3;
	v3 =	vadd.f32 v3, v4;
	v4 =	vmul.f32 v8, v5  }
0x12e: {  	s6 =	sadd.s32 $0x10, s6;
	s2 =	sshll.u32 s2, $0x9  }
0x12f: {  	s3 =	sand.u32 $0x70, s6;
	s2 =	sshra.s32 s2, $0x2;
	v3 =	vadd.f32 v4, v3  }
0x130: {  	s2 =	sor.u32 s3, s2  }
0x131: {  	[tilespmem:s2+$0x600] =	vst v3  }
0x132: {  	_ =	swait.ge [sflag:s29], $0x4000  }
0x133: {  	[sflag:s29] =	ssyncset.done $0x0  }
0x134: {  	[sflag:s29] =	ssyncadd.s32 $0xFFFFC000  }
0x135: {  	_ =	swait.ge [sflag:s29], $0x4000  }
0x136: {  	[sflag:s29] =	ssyncset.done $0x0  }
0x137: {  	[sflag:s29] =	ssyncadd.s32 $0xFFFFC000  }
0x138: {  	_ =	swait.ge [sflag:s29], $0x1000  }
0x139: {  	[sflag:s29] =	ssyncset.done $0x0  }
0x13a: {  	[sflag:s29] =	ssyncadd.s32 $0xFFFFF000  }
0x13b: {  	_ =	swait.ge [sflag:s29], $0x1000  }
0x13c: {  	[sflag:s29] =	ssyncset.done $0x0  }
0x13d: {  	[sflag:s29] =	ssyncadd.s32 $0xFFFFF000  }
0x13e: {  	_ =	swait.ge [sflag:s29], $0x1000  }
0x13f: {  	[sflag:s29] =	ssyncset.done $0x0  }
0x140: {  	[sflag:s29] =	ssyncadd.s32 $0xFFFFF000  }
0x141: {  	_ =	swait.ge [sflag:s29], $0x1000  }
0x142: {  	[sflag:s29] =	ssyncset.done $0x0  }
0x143: {  	[sflag:s29] =	ssyncadd.s32 $0xFFFFF000  }
0x144: {  	s3 =	sor.u32 s12, s19;
	_ =	swait.ge [sflag:s29], $0x1000  }
0x145: {  	s22 =	simm.s32 $0xF600;
	s4 =	sshll.u32 s3, $0x6;
	[sflag:s29] =	ssyncset.done $0x0  }
0x146: {  	s21 =	sadd.s32 s8, s4;
	s2 =	simm.s32 $0x0;
	[sflag:s29] =	ssyncadd.s32 $0xFFFFF000  }
0x147: {  	[hbm4b:s21+s2] =	stream.linear.scatter [tilespmem:s22], [sflag:$0x4], $0x4000, $0x38;
	[tilespmem:$0x1C600] =	vst v63  }
0x148: {  	s3 =	sshll.u32 s3, $0x4;
	s4 =	sadd.s32 s9, s4  }
0x149: {  	[hbm4b:s4+s2] =	stream.linear.scatter [tilespmem:s28], [sflag:$0x4], $0x4000, $0x38;
	[tilespmem:$0x1C600] =	vst v63  }
0x14a: {  	s19 =	sadd.s32 s10, s3  }
0x14b: {  	[hbm4b:s19+s2] =	stream.linear.scatter [tilespmem:s0], [sflag:$0x4], $0x1000, $0x38;
	[tilespmem:$0x1C600] =	vst v63  }
0x14c: {  	s3 =	sadd.s32 s11, s3  }
0x14d: {  	[hbm4b:s3+s2] =	stream.linear.scatter [tilespmem:s13], [sflag:$0x4], $0x1000, $0x38;
	[tilespmem:$0x1C600] =	vst v63  }
0x14e: {  	_ =	swait.ge [sflag:s14], $0x4000  }
0x14f: {  	[sflag:s14] =	ssyncset.done $0x0  }
0x150: {  	[sflag:s14] =	ssyncadd.s32 $0xFFFFC000  }
0x151: {  	_ =	swait.ge [sflag:s14], $0x4000  }
0x152: {  	[sflag:s14] =	ssyncset.done $0x0  }
0x153: {  	[sflag:s14] =	ssyncadd.s32 $0xFFFFC000  }
0x154: {  	_ =	swait.ge [sflag:s14], $0x1000  }
0x155: {  	[sflag:s14] =	ssyncset.done $0x0  }
0x156: {  	[sflag:s14] =	ssyncadd.s32 $0xFFFFF000  }
0x157: {  	s21 =	sshll.u32 s20, $0x1;
	_ =	swait.ge [sflag:s14], $0x1000  }
0x158: {  	s3 =	smin.u32 s21, $0xD;
	[sflag:s14] =	ssyncset.done $0x0  }
0x159: {  	s3 =	sshll.u32 s3, $0x5;
	[sflag:s14] =	ssyncadd.s32 $0xFFFFF000  }
0x15a: {  	v3 =	vld [tilespmem:s3+$0x40];
	_ =	sdelay $0x4  }
0x15b: {  	v4 =	vshll.u32 v3, $0x2  }
0x15c: {  	v3 =	vand.u32 $0x7, v3;
	v4 =	vand.u32 $0xFFFFFFE0, v4  }
0x15d: {  	v3 =	vor.u32 v3, v4  }
0x15e: {  	v4 =	vperm.xlane v3, v0;
	_ =	sdelay $0x1  }
0x15f: {  	v4 =	vadd.s32 v1, v4;
	_ =	sdelay $0x1  }
0x160: {  	v3 =	vperm.xlane v3, v2;
	_ =	sdelay $0x1  }
0x161: {  	v3 =	vadd.s32 v1, v3  }
0x162: {  	[tilespmem:s26], [sflag:$0x1] =	stream.indirect_vreg.gather [hbm4b:s5+s2], $0x80, v4, vm0, $0xb8;
	[tilespmem:$0x1C600] =	vst v63  }
0x163: {  	s22 =	simm.s32 $0x2E00  }
0x164: {  	[tilespmem:s22], [sflag:$0x1] =	stream.indirect_vreg.gather [hbm4b:s16+s2], $0x80, v4, vm0, $0xb8;
	[tilespmem:$0x1C600] =	vst v63  }
0x165: {  	s26 =	simm.s32 $0x3600  }
0x166: {  	[tilespmem:s26], [sflag:$0x1] =	stream.indirect_vreg.gather [hbm4b:s5+s2], $0x80, v3, vm0, $0xb8;
	[tilespmem:$0x1C600] =	vst v63  }
0x167: {  	s6 =	simm.s32 $0x3E00  }
0x168: {  	[tilespmem:s6], [sflag:$0x1] =	stream.indirect_vreg.gather [hbm4b:s16+s2], $0x80, v3, vm0, $0xb8;
	[tilespmem:$0x1C600] =	vst v63  }
0x169: {  	v3 =	vld [tilespmem:s3+$0x50];
	_ =	sdelay $0x4  }
0x16a: {  	v4 =	vshll.u32 v3, $0x2  }
0x16b: {  	v3 =	vand.u32 $0x7, v3;
	v4 =	vand.u32 $0xFFFFFFE0, v4  }
0x16c: {  	v3 =	vor.u32 v3, v4  }
0x16d: {  	v4 =	vperm.xlane v3, v0;
	_ =	sdelay $0x1  }
0x16e: {  	v4 =	vadd.s32 v1, v4;
	_ =	sdelay $0x1  }
0x16f: {  	v3 =	vperm.xlane v3, v2;
	_ =	sdelay $0x1  }
0x170: {  	s19 =	simm.s32 $0x4600;
	v3 =	vadd.s32 v1, v3  }
0x171: {  	[tilespmem:s19], [sflag:$0x1] =	stream.indirect_vreg.gather [hbm4b:s5+s2], $0x80, v4, vm0, $0xb8;
	[tilespmem:$0x1C600] =	vst v63  }
0x172: {  	s21 =	simm.s32 $0x4E00  }
0x173: {  	[tilespmem:s21], [sflag:$0x1] =	stream.indirect_vreg.gather [hbm4b:s16+s2], $0x80, v4, vm0, $0xb8;
	[tilespmem:$0x1C600] =	vst v63  }
0x174: {  	s22 =	simm.s32 $0x5600  }
0x175: {  	[tilespmem:s22], [sflag:$0x1] =	stream.indirect_vreg.gather [hbm4b:s5+s2], $0x80, v3, vm0, $0xb8;
	[tilespmem:$0x1C600] =	vst v63  }
0x176: {  	s26 =	simm.s32 $0x5E00  }
0x177: {  	[tilespmem:s26], [sflag:$0x1] =	stream.indirect_vreg.gather [hbm4b:s16+s2], $0x80, v3, vm0, $0xb8;
	[tilespmem:$0x1C600] =	vst v63  }
0x178: {  	v3 =	vld [tilespmem:s3+$0x240];
	_ =	sdelay $0x4  }
0x179: {  	v4 =	vshll.u32 v3, $0x2  }
0x17a: {  	v3 =	vand.u32 $0x7, v3;
	v4 =	vand.u32 $0xFFFFFFE0, v4  }
0x17b: {  	v3 =	vor.u32 v3, v4  }
0x17c: {  	v4 =	vperm.xlane v3, v0;
	_ =	sdelay $0x1  }
0x17d: {  	v4 =	vadd.s32 v1, v4;
	_ =	sdelay $0x1  }
0x17e: {  	v3 =	vperm.xlane v3, v2;
	_ =	sdelay $0x1  }
0x17f: {  	s6 =	simm.s32 $0x6600;
	v3 =	vadd.s32 v1, v3  }
0x180: {  	[tilespmem:s6], [sflag:$0x1] =	stream.indirect_vreg.gather [hbm4b:s5+s2], $0x80, v4, vm0, $0xb8;
	[tilespmem:$0x1C600] =	vst v63  }
0x181: {  	s19 =	simm.s32 $0x6E00  }
0x182: {  	[tilespmem:s19], [sflag:$0x1] =	stream.indirect_vreg.gather [hbm4b:s16+s2], $0x80, v4, vm0, $0xb8;
	[tilespmem:$0x1C600] =	vst v63  }
0x183: {  	s21 =	simm.s32 $0x7600  }
0x184: {  	[tilespmem:s21], [sflag:$0x1] =	stream.indirect_vreg.gather [hbm4b:s5+s2], $0x80, v3, vm0, $0xb8;
	[tilespmem:$0x1C600] =	vst v63  }
0x185: {  	s22 =	simm.s32 $0x7E00  }
0x186: {  	[tilespmem:s22], [sflag:$0x1] =	stream.indirect_vreg.gather [hbm4b:s16+s2], $0x80, v3, vm0, $0xb8;
	[tilespmem:$0x1C600] =	vst v63  }
0x187: {  	v3 =	vld [tilespmem:s3+$0x250];
	_ =	sdelay $0x4  }
0x188: {  	v4 =	vshll.u32 v3, $0x2  }
0x189: {  	v3 =	vand.u32 $0x7, v3;
	v4 =	vand.u32 $0xFFFFFFE0, v4  }
0x18a: {  	v3 =	vor.u32 v3, v4  }
0x18b: {  	v4 =	vperm.xlane v3, v0;
	_ =	sdelay $0x1  }
0x18c: {  	v4 =	vadd.s32 v1, v4;
	_ =	sdelay $0x1  }
0x18d: {  	v3 =	vperm.xlane v3, v2;
	_ =	sdelay $0x1  }
0x18e: {  	s26 =	simm.s32 $0x8600;
	v3 =	vadd.s32 v1, v3  }
0x18f: {  	[tilespmem:s26], [sflag:$0x1] =	stream.indirect_vreg.gather [hbm4b:s5+s2], $0x80, v4, vm0, $0xb8;
	[tilespmem:$0x1C600] =	vst v63  }
0x190: {  	s6 =	simm.s32 $0x8E00  }
0x191: {  	[tilespmem:s6], [sflag:$0x1] =	stream.indirect_vreg.gather [hbm4b:s16+s2], $0x80, v4, vm0, $0xb8;
	[tilespmem:$0x1C600] =	vst v63  }
0x192: {  	s19 =	simm.s32 $0x9600  }
0x193: {  	[tilespmem:s19], [sflag:$0x1] =	stream.indirect_vreg.gather [hbm4b:s5+s2], $0x80, v3, vm0, $0xb8;
	[tilespmem:$0x1C600] =	vst v63  }
0x194: {  	s21 =	simm.s32 $0x9E00  }
0x195: {  	[tilespmem:s21], [sflag:$0x1] =	stream.indirect_vreg.gather [hbm4b:s16+s2], $0x80, v3, vm0, $0xb8;
	[tilespmem:$0x1C600] =	vst v63  }
0x196: {  	s22 =	sadd.s32 $0x40, s3;
	s26 =	simm.s32 $0xA600  }
0x197: {  	[tilespmem:s26], [sflag:$0x1] =	stream.indirect.gather [hbm4b:s1+s18], $0x80, s22, s18, $0xb8;
	[tilespmem:$0x1C600] =	vst v63  }
0x198: {  	s19 =	sadd.s32 $0x240, s3;
	s21 =	simm.s32 $0xB600  }
0x199: {  	[tilespmem:s21], [sflag:$0x1] =	stream.indirect.gather [hbm4b:s1+s18], $0x80, s19, s18, $0xb8;
	[tilespmem:$0x1C600] =	vst v63  }
0x19a: {  	s3 =	sadd.s32 $0x440, s3;
	s22 =	simm.s32 $0xC600  }
0x19b: {  	[tilespmem:s22], [sflag:$0x1] =	stream.indirect.gather [hbm4b:s31+s18], $0x80, s3, s18, $0xb8;
	[tilespmem:$0x1C600] =	vst v63  }
0x19c: {  	s26 =	smov.u32 s31;
	s31 =	rddreg [dreg:$0x5]  }
0x19d: {  	[tilespmem:s23], [sflag:$0x1] =	stream.indirect.gather [hbm4b:s31+s18], $0x80, s3, s18, $0xb8;
	[tilespmem:$0x1C600] =	vst v63  }
0x19e: {  	s6 =	rddreg [dreg:$0x6];
	s19 =	simm.s32 $0x18640  }
0x19f: {  	[tilespmem:s24], [sflag:$0x1] =	stream.indirect.gather [hbm4b:s6+s18], $0x80, s3, s18, $0xb8;
	[tilespmem:$0x1C600] =	vst v63  }
0x1a0: {  	v3 =	vld [tilespmem:s19+$0x20]  }
0x1a1: {  	v4 =	vld [tilespmem:s19+$0x10]  }
0x1a2: {  	v5 =	vld [tilespmem:s19+$0x0]  }
0x1a3: {  	v6 =	vld [tilespmem:s19+$0xFFFFFFF0]  }
0x1a4: {  	v7 =	vld [tilespmem:s19+$0xFFFFFFE0]  }
0x1a5: {  	v8 =	vld [tilespmem:s19+$0xFFFFFFD0]  }
0x1a6: {  	s21 =	simm.s32 $0x19640;
	v9 =	vld [tilespmem:s19+$0xFFFFFFC0]  }
0x1a7: {  	s22 =	simm.s32 $0x17640;
	v10 =	vld [tilespmem:s21+$0xFFFFFFC0]  }
0x1a8: {  	v11 =	vld [tilespmem:s22+$0xFFFFFFC0]  }
0x1a9: {  	v54 =	vld [tilespmem:s22+$0xFFFFFFD0]  }
0x1aa: {  	v55 =	vld [tilespmem:s21+$0xFFFFFFD0]  }
0x1ab: {  	v56 =	vld [tilespmem:s22+$0xFFFFFFE0]  }
0x1ac: {  	v57 =	vld [tilespmem:s21+$0xFFFFFFE0]  }
0x1ad: {  	v58 =	vld [tilespmem:s21+$0xFFFFFFF0];
	v10 =	vmul.f32 v10, v11  }
0x1ae: {  	v11 =	vld [tilespmem:s22+$0xFFFFFFF0]  }
0x1af: {  	v59 =	vld [tilespmem:s22+$0x0];
	v9 =	vmul.f32 v9, v10;
	v10 =	vmul.f32 v55, v54  }
0x1b0: {  	v60 =	vld [tilespmem:s21+$0x0]  }
0x1b1: {  	v61 =	vld [tilespmem:s22+$0x10];
	v9 =	vadd.f32 $0.0e+00, v9;
	v8 =	vmul.f32 v8, v10;
	v10 =	vmul.f32 v57, v56  }
0x1b2: {  	v62 =	vld [tilespmem:s21+$0x10]  }
0x1b3: {  	v8 =	vadd.f32 v8, v9;
	v7 =	vmul.f32 v7, v10;
	v9 =	vmul.f32 v58, v11;
	v10 =	vld [tilespmem:s22+$0x20]  }
0x1b4: {  	v11 =	vld [tilespmem:s21+$0x20]  }
0x1b5: {  	v63 =	vld [tilespmem:s21+$0x30];
	v7 =	vadd.f32 v7, v8;
	v6 =	vmul.f32 v6, v9;
	v8 =	vmul.f32 v60, v59  }
0x1b6: {  	v9 =	vld [tilespmem:s22+$0x30]  }
0x1b7: {  	v6 =	vadd.f32 v6, v7;
	v5 =	vmul.f32 v5, v8;
	v7 =	vmul.f32 v62, v61  }
0x1b8: {  	v8 =	vld [tilespmem:s19+$0x30]  }
0x1b9: {  	v5 =	vadd.f32 v5, v6;
	v4 =	vmul.f32 v4, v7;
	v6 =	vmul.f32 v11, v10;
	_ =	sdelay $0x1  }
0x1ba: {  	v4 =	vadd.f32 v4, v5;
	v3 =	vmul.f32 v3, v6;
	v5 =	vmul.f32 v63, v9;
	_ =	sdelay $0x1  }
0x1bb: {  	v3 =	vadd.f32 v3, v4;
	v4 =	vmul.f32 v8, v5  }
0x1bc: {  	s31 =	sand.u32 $0x7E00, s15  }
0x1bd: {  	s2 =	sand.u32 $0x70, s2;
	s3 =	sshrl.u32 s31, $0x2;
	v3 =	vadd.f32 v4, v3  }
0x1be: {  	s2 =	sor.u32 s2, s3  }
0x1bf: {  	[tilespmem:s2+$0x600] =	vst v3;
	s2 =	simm.s32 $0x186C0  }
0x1c0: {  	v3 =	vld [tilespmem:s2+$0x20]  }
0x1c1: {  	v4 =	vld [tilespmem:s2+$0x10]  }
0x1c2: {  	v5 =	vld [tilespmem:s2+$0x0]  }
0x1c3: {  	v6 =	vld [tilespmem:s2+$0xFFFFFFF0]  }
0x1c4: {  	v7 =	vld [tilespmem:s2+$0xFFFFFFE0]  }
0x1c5: {  	v8 =	vld [tilespmem:s2+$0xFFFFFFD0]  }
0x1c6: {  	s21 =	simm.s32 $0x196C0;
	v9 =	vld [tilespmem:s2+$0xFFFFFFC0]  }
0x1c7: {  	s3 =	simm.s32 $0x176C0;
	v10 =	vld [tilespmem:s21+$0xFFFFFFC0]  }
0x1c8: {  	s4 =	simm.s32 $0x20;
	s6 =	simm.s32 $0x10;
	s19 =	smov.u32 s15;
	v11 =	vld [tilespmem:s3+$0xFFFFFFC0]  }
.LBB2_5:
0x1c9: {  	p0 =	sne.s32 s4, $0x1F0;
	v12 =	vld [tilespmem:s3+$0xFFFFFFD0]  }
0x1ca: {  	v13 =	vld [tilespmem:s21+$0xFFFFFFD0]  }
0x1cb: {  	v14 =	vld [tilespmem:s3+$0xFFFFFFE0]  }
0x1cc: {  	v15 =	vld [tilespmem:s21+$0xFFFFFFE0]  }
0x1cd: {  	v10 =	vmul.f32 v10, v11;
	v11 =	vld [tilespmem:s3+$0xFFFFFFF0]  }
0x1ce: {  	v16 =	vld [tilespmem:s21+$0xFFFFFFF0]  }
0x1cf: {  	v9 =	vmul.f32 v9, v10;
	v10 =	vmul.f32 v13, v12;
	v12 =	vld [tilespmem:s3+$0x0]  }
0x1d0: {  	v13 =	vld [tilespmem:s21+$0x0]  }
0x1d1: {  	v9 =	vadd.f32 $0.0e+00, v9;
	v8 =	vmul.f32 v8, v10;
	v10 =	vmul.f32 v15, v14;
	v14 =	vld [tilespmem:s3+$0x10]  }
0x1d2: {  	v15 =	vld [tilespmem:s21+$0x10]  }
0x1d3: {  	v8 =	vadd.f32 v8, v9;
	v7 =	vmul.f32 v7, v10;
	v9 =	vmul.f32 v16, v11;
	v10 =	vld [tilespmem:s3+$0x20]  }
0x1d4: {  	v11 =	vld [tilespmem:s21+$0x20]  }
0x1d5: {  	v7 =	vadd.f32 v7, v8;
	v6 =	vmul.f32 v6, v9;
	v8 =	vmul.f32 v13, v12;
	v9 =	vld [tilespmem:s3+$0x30]  }
0x1d6: {  	v12 =	vld [tilespmem:s21+$0x30]  }
0x1d7: {  	v6 =	vadd.f32 v6, v7;
	v5 =	vmul.f32 v5, v8;
	v7 =	vmul.f32 v15, v14  }
0x1d8: {  	v8 =	vld [tilespmem:s2+$0x30]  }
0x1d9: {  	v5 =	vadd.f32 v5, v6;
	v4 =	vmul.f32 v4, v7;
	v6 =	vmul.f32 v11, v10;
	_ =	sdelay $0x1  }
0x1da: {  	v4 =	vadd.f32 v4, v5;
	v3 =	vmul.f32 v3, v6;
	v5 =	vmul.f32 v12, v9;
	_ =	sdelay $0x1  }
0x1db: {  	s19 =	sadd.s32 $0x40, s19;
	v3 =	vadd.f32 v3, v4;
	v4 =	vmul.f32 v8, v5  }
0x1dc: {  	s22 =	sand.u32 $0x7E00, s19  }
0x1dd: {  	s31 =	sand.u32 $0x70, s6;
	s6 =	smov.u32 s4;
	s22 =	sshrl.u32 s22, $0x2;
	v3 =	vadd.f32 v4, v3  }
0x1de: {  	s22 =	sor.u32 s31, s22  }
0x1df: {  	s2 =	sadd.s32 $0x80, s2;
	[tilespmem:s22+$0x600] =	vst v3  }
0x1e0: {  	v3 =	vld [tilespmem:s2+$0x20]  }
0x1e1: {  	v4 =	vld [tilespmem:s2+$0x10]  }
0x1e2: {  	v5 =	vld [tilespmem:s2+$0x0]  }
0x1e3: {  	v6 =	vld [tilespmem:s2+$0xFFFFFFF0]  }
.Ltmp1:
0x1e4: {  	v7 =	vld [tilespmem:s2+$0xFFFFFFE0];
	(pc) =	sbr.rel @p0 .LBB2_5-.Ltmp1, $4  }
0x1e5: {  	v8 =	vld [tilespmem:s2+$0xFFFFFFD0]  }
0x1e6: {  	s21 =	sadd.s32 $0x80, s21;
	v9 =	vld [tilespmem:s2+$0xFFFFFFC0]  }
0x1e7: {  	s3 =	sadd.s32 $0x80, s3;
	v10 =	vld [tilespmem:s21+$0xFFFFFFC0]  }
0x1e8: {  	s4 =	sadd.s32 $0x10, s4;
	v11 =	vld [tilespmem:s3+$0xFFFFFFC0]  }
0x1e9: {  	v12 =	vld [tilespmem:s3+$0xFFFFFFD0]  }
0x1ea: {  	v13 =	vld [tilespmem:s21+$0xFFFFFFD0]  }
0x1eb: {  	v14 =	vld [tilespmem:s3+$0xFFFFFFE0]  }
0x1ec: {  	v15 =	vld [tilespmem:s21+$0xFFFFFFE0]  }
0x1ed: {  	v46 =	vld [tilespmem:s3+$0xFFFFFFF0];
	v10 =	vmul.f32 v10, v11  }
0x1ee: {  	v16 =	vld [tilespmem:s21+$0xFFFFFFF0]  }
0x1ef: {  	v48 =	vld [tilespmem:s3+$0x0];
	v47 =	vmul.f32 v13, v12;
	v9 =	vmul.f32 v9, v10  }
0x1f0: {  	v49 =	vld [tilespmem:s21+$0x0]  }
0x1f1: {  	v51 =	vld [tilespmem:s3+$0x10];
	v50 =	vmul.f32 v15, v14;
	v8 =	vmul.f32 v8, v47;
	v9 =	vadd.f32 $0.0e+00, v9  }
0x1f2: {  	v52 =	vld [tilespmem:s21+$0x10]  }
0x1f3: {  	v54 =	vld [tilespmem:s3+$0x20];
	v53 =	vmul.f32 v16, v46;
	v7 =	vmul.f32 v7, v50;
	v8 =	vadd.f32 v8, v9  }
0x1f4: {  	v55 =	vld [tilespmem:s21+$0x20]  }
0x1f5: {  	v57 =	vld [tilespmem:s3+$0x30];
	v56 =	vmul.f32 v49, v48;
	v6 =	vmul.f32 v6, v53;
	v7 =	vadd.f32 v7, v8  }
0x1f6: {  	v58 =	vld [tilespmem:s21+$0x30]  }
0x1f7: {  	v59 =	vmul.f32 v52, v51;
	v5 =	vmul.f32 v5, v56;
	v6 =	vadd.f32 v6, v7  }
0x1f8: {  	v60 =	vld [tilespmem:s2+$0x30]  }
0x1f9: {  	v61 =	vmul.f32 v55, v54;
	v4 =	vmul.f32 v4, v59;
	v5 =	vadd.f32 v5, v6;
	_ =	sdelay $0x1  }
0x1fa: {  	v62 =	vmul.f32 v58, v57;
	v3 =	vmul.f32 v3, v61;
	v4 =	vadd.f32 v4, v5;
	_ =	sdelay $0x1  }
0x1fb: {  	s21 =	sadd.s32 $0x40, s19;
	v63 =	vmul.f32 v60, v62;
	v3 =	vadd.f32 v3, v4  }
0x1fc: {  	s2 =	sand.u32 $0x7E00, s21  }
0x1fd: {  	s22 =	sand.u32 $0x70, s6;
	s2 =	sshrl.u32 s2, $0x2;
	v3 =	vadd.f32 v63, v3  }
0x1fe: {  	s2 =	sor.u32 s22, s2  }
0x1ff: {  	[tilespmem:s2+$0x600] =	vst v3  }
0x200: {  	_ =	swait.ge [sflag:s7], $0x4000  }
0x201: {  	[sflag:s7] =	ssyncset.done $0x0  }
0x202: {  	[sflag:s7] =	ssyncadd.s32 $0xFFFFC000  }
0x203: {  	_ =	swait.ge [sflag:s7], $0x4000  }
0x204: {  	[sflag:s7] =	ssyncset.done $0x0  }
0x205: {  	s20 =	sadd.s32 $0x1, s20;
	[sflag:s7] =	ssyncadd.s32 $0xFFFFC000  }
0x206: {  	p0 =	sne.s32 s20, $0x8;
	_ =	swait.ge [sflag:s7], $0x1000  }
.Ltmp2:
0x207: {  	[sflag:s7] =	ssyncset.done $0x0;
	(pc) =	sbr.rel @p0 .LBB2_2-.Ltmp2, $4  }
0x208: {  	[sflag:s7] =	ssyncadd.s32 $0xFFFFF000  }
0x209: {  	s30 =	sadd.s32 $0x40, s30;
	_ =	swait.ge [sflag:s7], $0x1000  }
0x20a: {  	s17 =	sadd.s32 $0xFFFF8000, s17;
	s15 =	sadd.s32 $0x1000, s15;
	[sflag:s7] =	ssyncset.done $0x0  }
0x20b: {  	s31 =	smov.u32 s26;
	s26 =	simm.s32 $0x2600;
	[sflag:s7] =	ssyncadd.s32 $0xFFFFF000  }
0x20c: {  	_ =	swait.ge [sflag:s25], $0x4000  }
0x20d: {  	[sflag:s25] =	ssyncset.done $0x0  }
0x20e: {  	[sflag:s25] =	ssyncadd.s32 $0xFFFFC000  }
0x20f: {  	_ =	swait.ge [sflag:s25], $0x4000  }
0x210: {  	[sflag:s25] =	ssyncset.done $0x0  }
0x211: {  	[sflag:s25] =	ssyncadd.s32 $0xFFFFC000  }
0x212: {  	_ =	swait.ge [sflag:s25], $0x1000  }
0x213: {  	[sflag:s25] =	ssyncset.done $0x0  }
0x214: {  	[sflag:s25] =	ssyncadd.s32 $0xFFFFF000  }
0x215: {  	_ =	swait.ge [sflag:s25], $0x1000  }
0x216: {  	[sflag:s25] =	ssyncset.done $0x0  }
0x217: {  	[sflag:s25] =	ssyncadd.s32 $0xFFFFF000  }
0x218: {  	_ =	swait.ge [sflag:s25], $0x1000  }
0x219: {  	[sflag:s25] =	ssyncset.done $0x0  }
0x21a: {  	[sflag:s25] =	ssyncadd.s32 $0xFFFFF000  }
0x21b: {  	_ =	swait.ge [sflag:s25], $0x1000  }
0x21c: {  	[sflag:s25] =	ssyncset.done $0x0  }
0x21d: {  	[sflag:s25] =	ssyncadd.s32 $0xFFFFF000  }
0x21e: {  	_ =	swait.ge [sflag:s25], $0x1000  }
0x21f: {  	s15 =	simm.s32 $0x0;
	[sflag:s25] =	ssyncset.done $0x0  }
0x220: {  	s3 =	simm.s32 $0x600;
	s2 =	rddreg [dreg:$0xd];
	[sflag:s25] =	ssyncadd.s32 $0xFFFFF000  }
0x221: {  	[hbm4b:s2+s15] =	stream.linear.scatter [tilespmem:s3], [sflag:$0x5], $0x2000, $0x38;
	[tilespmem:$0x1C600] =	vst v63  }
0x222: {  	s3 =	simm.s32 $0x5  }
0x223: {  	_ =	swait.ge [sflag:s3], $0x2000  }
0x224: {  	s4 =	rddreg [dreg:$0xf]  }
0x225: {  	s30 =	rddreg [dreg:$0xe];
	s4 =	sadd.s32 $0x1, s4  }
0x226: {  	p0 =	sne.s32 s4, s30  }
.Ltmp3:
0x227: {  	_ = 	snop;
	(pc) =	sbr.rel @p0 .LBB2_1-.Ltmp3, $3  }
0x228: {  	_ =	sdelay $0x1  }
0x229: {  	[sflag:s3] =	ssyncset.done $0x0  }
0x22a: {  	[sflag:s3] =	ssyncadd.s32 $0xFFFFE000  }
0x22b: {  	_ =	sfence.sel $0x180000  }
0x22c: {  	[bflag:$0x0] =	sbarrier.arrive $0xFFFF  }
0x22d: {  	_ =	strace $0x90000047  }
0x22e: {  	s0 =	stileid.u32;
	[bflag:$0x2] =	sbarrier.arrive $0xFFFF  }
0x22f: {  	p0 =	sne.s32 s0, $0x0;
	s0 =	rddreg [dreg:$0x9]  }
0x230: {  	s0 =	sadd.s32 @!p0 $0x100000, s0  }
0x231: {  	[sflag:s0] =	ssyncadd.tile.s32 @!p0 $0x1;
	_ =	shalt  }
.Lfunc_end2:
_tile_overlayer_lowered:
.L_overlay_start_2:
0x232: {  	(tag) =	ssettag $0x2  }
0x233: {  	s0 =	rddreg [dreg:$0x0];
	s2 =	stileid.u32  }
0x234: {  	s1 =	rddreg [dreg:$0x1];
	p0 =	sne.s32 s2, $0x0  }
0x235: {  	s3 =	rddreg [dreg:$0x2];
	[bflag:$0x3] =	sbarrier.arrive $0xFFFF;
	s2 =	simm.s32 @!p0 $0x1C05  }
0x236: {  	[timem:s3], [sflag:s2] =	dma.local @!p0 [hbm:s0], s1  }
0x237: {  	s0 =	simm.s32 @!p0 $0x5  }
0x238: {  	_ =	swait.ge @!p0 [sflag:s0], s1  }
0x239: {  	s1 =	ssub.s32 @!p0 $0x0, s1;
	[sflag:s0] =	ssyncset.done @!p0 $0x0  }
0x23a: {  	[sflag:s0] =	ssyncadd.s32 @!p0 s1  }
0x23b: {  	[bflag:$0x3] =	sbarrier.arrive $0xFFFF  }
0x23c: {  	_ =	shalt  }

</sc_bundles>
